<compile_context>
chip_gen: v7x
topology: tpu7x:2x2x1
jax: 0.10.2.dev20260603
libtpu: 0.0.44.dev20260713+nightly
codegen_flags: <defaults>
</compile_context>

<pallas_src>
import jax
import jax.numpy as jnp
from jax import lax
from jax.experimental import pallas as pl
from jax.experimental.pallas import tpu as pltpu
from jax.experimental.pallas import tpu_sc as plsc

_B = 1024
_W = 200
_D = 64
_N = _B * _W
_NC = 2
_NS = 16
_NW = _NC * _NS
_CHUNK = 128
_NCHUNKS = _N // _CHUNK
_CPW = _NCHUNKS // _NW

_NBUF = 5
_NGRP = _CPW // _NBUF


def _emb_body(idx_hbm, table_hbm, out_hbm, idx_v, rows_v, gsem, ssem):
    wid = lax.axis_index("s") * _NC + lax.axis_index("c")
    pltpu.sync_copy(idx_hbm.at[wid], idx_v)

    @pl.loop(0, _NGRP)
    def _grp(g):
        for k in range(_NBUF):
            @pl.when(g > 0)
            def _():
                pltpu.make_async_copy(
                    rows_v.at[k], out_hbm.at[wid, 0], ssem.at[k]
                ).wait()
            pltpu.async_copy(
                table_hbm.at[idx_v.at[g * _NBUF + k]], rows_v.at[k], gsem.at[k]
            )
        for k in range(_NBUF):
            pltpu.make_async_copy(
                table_hbm.at[idx_v.at[0]], rows_v.at[k], gsem.at[k]
            ).wait()
            pltpu.async_copy(rows_v.at[k], out_hbm.at[wid, g * _NBUF + k],
                             ssem.at[k])

    for k in range(_NBUF):
        pltpu.make_async_copy(
            rows_v.at[k], out_hbm.at[wid, 0], ssem.at[k]
        ).wait()


def kernel(token_ids, table):
    idx = token_ids.reshape(_NW, _CPW, _CHUNK).astype(jnp.int32)
    mesh = plsc.VectorSubcoreMesh(core_axis_name="c", subcore_axis_name="s")
    out = pl.kernel(
        _emb_body,
        out_type=jax.ShapeDtypeStruct((_NW, _CPW, _CHUNK, _D), jnp.float32),
        mesh=mesh,
        scratch_types=[
            pltpu.VMEM((_CPW, _CHUNK), jnp.int32),
            pltpu.VMEM((_NBUF, _CHUNK, _D), jnp.float32),
            pltpu.SemaphoreType.DMA((_NBUF,)),
            pltpu.SemaphoreType.DMA((_NBUF,)),
        ],
        compiler_params=pltpu.CompilerParams(use_tc_tiling_on_sc=False),
    )(idx, table)
    return out.reshape(_B, _W, _D)

# --- scband reference (transcript-rebuilt; emitter-appended) ---
"""Pipeline reference for scband-word-embedding-17334488007264 (READ-ONLY COPY).

The authoritative reference and input builder live on the scoring server;
editing this copy changes nothing except your own understanding.
"""

import jax, jax.numpy as jnp
import numpy as np

NUM_EMBEDDINGS = 1000000
EMBEDDING_DIM = 64
PADDING_IDX = 0
BATCH = 1024
WORDS_NUM = 200


def setup_inputs(seed: int = 0) -> dict:
    key = jax.random.key(seed)
    k_idx, k_tab = jax.random.split(key)
    token_ids = jax.random.randint(k_idx, (BATCH, WORDS_NUM), 0, NUM_EMBEDDINGS)
    table = jax.random.normal(k_tab, (NUM_EMBEDDINGS, EMBEDDING_DIM), dtype=jnp.float32)
    # torch.nn.Embedding zeroes the padding_idx row at init
    table = table.at[PADDING_IDX].set(0.0)
    return {"token_ids": token_ids, "table": table}


def reference(token_ids, table):
    # word_vecs = self.l_embedding(token_ids)
    word_vecs = jnp.take(table, token_ids, axis=0)
    return word_vecs

if __name__ == "__main__":
    import jax
    _d = setup_inputs()
    print(jax.jit(kernel)(*tuple(_d.values())))

</pallas_src>

<mosaic_0001>
#map = affine_map<(d0, d1) -> (0, 0, 0)>
#map1 = affine_map<(d0, d1) -> (0, 0)>
#map2 = affine_map<(d0, d1) -> (0, 0, 0, 0)>
module attributes {stable_mosaic.version = 14 : i64} {
  func.func @_emb_body(%arg0: i32, %arg1: i32, %arg2: memref<32x50x128xi32, #tpu.memory_space<hbm>>, %arg3: memref<1000000x64xf32, #tpu.memory_space<hbm>>, %arg4: memref<32x50x128x64xf32, #tpu.memory_space<hbm>>, %arg5: memref<50x128xi32, #tpu.memory_space<vmem>>, %arg6: memref<5x128x64xf32, #tpu.memory_space<vmem>>, %arg7: memref<5x!tpu.dma_semaphore, #tpu.memory_space<semaphore_mem>>, %arg8: memref<5x!tpu.dma_semaphore, #tpu.memory_space<semaphore_mem>>) attributes {dimension_semantics = [#tpu.dimension_semantics<core_parallel>, #tpu.dimension_semantics<subcore_parallel>], iteration_bounds = array<i64: 2, 16>, scalar_prefetch = 0 : i64, scratch_operands = 4 : i64, tpu.core_type = #tpu.core_type<sc_vector_subcore>, window_params = [{transform_indices = #map}, {transform_indices = #map1}, {transform_indices = #map2}]} {
    %mul3A = arith.constant 2 : i32
    %mul3A_0 = arith.muli %arg1, %mul3A : i32
    %add3A = arith.addi %mul3A_0, %arg0 : i32
    "tpu.region"() ({
      %run_scoped3A = tpu.sem_alloc : memref<!tpu.dma_semaphore, #tpu.memory_space<semaphore_mem>>
      %dma_start3A = arith.constant 0 : i32
      %dma_start3A_109 = arith.constant 0 : i32
      %dma_start3A_110 = tpu.memref_slice %arg2[%add3A, %dma_start3A, %dma_start3A_109] : memref<32x50x128xi32, #tpu.memory_space<hbm>> -> memref<1x50x128xi32, #tpu.memory_space<hbm>>
      %dma_start3A_111 = tpu.memref_squeeze %dma_start3A_110 : memref<1x50x128xi32, #tpu.memory_space<hbm>> -> memref<50x128xi32, #tpu.memory_space<hbm>>
      %dma_start3A_112 = arith.constant 0 : i32
      %dma_start3A_113 = arith.constant 0 : i32
      %dma_start3A_114 = tpu.memref_slice %arg2[%add3A, %dma_start3A_112, %dma_start3A_113] : memref<32x50x128xi32, #tpu.memory_space<hbm>> -> memref<1x50x128xi32, #tpu.memory_space<hbm>>
      %dma_start3A_115 = tpu.memref_squeeze %dma_start3A_114 : memref<1x50x128xi32, #tpu.memory_space<hbm>> -> memref<50x128xi32, #tpu.memory_space<hbm>>
      tpu.enqueue_dma source(%dma_start3A_115 : memref<50x128xi32, #tpu.memory_space<hbm>>) target(%arg5 : memref<50x128xi32, #tpu.memory_space<vmem>>) target_semaphore(%run_scoped3A : memref<!tpu.dma_semaphore, #tpu.memory_space<semaphore_mem>>)
      %dma_wait3A_116 = arith.constant 0 : i32
      %dma_wait3A_117 = arith.constant 0 : i32
      %dma_wait3A_118 = tpu.memref_slice %arg2[%add3A, %dma_wait3A_116, %dma_wait3A_117] : memref<32x50x128xi32, #tpu.memory_space<hbm>> -> memref<1x50x128xi32, #tpu.memory_space<hbm>>
      %dma_wait3A_119 = tpu.memref_squeeze %dma_wait3A_118 : memref<1x50x128xi32, #tpu.memory_space<hbm>> -> memref<50x128xi32, #tpu.memory_space<hbm>>
      %dma_wait3A_120 = arith.constant 0 : i32
      %dma_wait3A_121 = arith.constant 0 : i32
      %dma_wait3A_122 = tpu.memref_slice %arg2[%add3A, %dma_wait3A_120, %dma_wait3A_121] : memref<32x50x128xi32, #tpu.memory_space<hbm>> -> memref<1x50x128xi32, #tpu.memory_space<hbm>>
      %dma_wait3A_123 = tpu.memref_squeeze %dma_wait3A_122 : memref<1x50x128xi32, #tpu.memory_space<hbm>> -> memref<50x128xi32, #tpu.memory_space<hbm>>
      tpu.wait_dma2 semaphore(%run_scoped3A : memref<!tpu.dma_semaphore, #tpu.memory_space<semaphore_mem>>) src(%dma_wait3A_123 : memref<50x128xi32, #tpu.memory_space<hbm>>) dst(%arg5 : memref<50x128xi32, #tpu.memory_space<vmem>>)
      tpu.yield
    }) : () -> ()
    %scan3A = arith.constant 0 : i32
    %scan3A_1 = arith.constant 10 : i32
    %scan3A_2 = arith.addi %scan3A, %scan3A_1 : i32
    %scan3A_3 = arith.constant 1 : i32
    scf.for %scan3A_109 = %scan3A to %scan3A_2 step %scan3A_3  : i32 {
      %mul3A_110 = arith.constant 1 : i32
      %mul3A_111 = arith.muli %scan3A_109, %mul3A_110 : i32
      %add3A_112 = arith.constant 0 : i32
      %add3A_113 = arith.addi %add3A_112, %mul3A_111 : i32
      %gt3A = arith.constant 0 : i32
      %gt3A_114 = arith.cmpi sgt, %add3A_113, %gt3A : i32
      %convert_element_type3A = arith.extui %gt3A_114 : i1 to i32
      %cond3A = arith.constant 0 : i32
      %cond3A_115 = arith.cmpi ne, %convert_element_type3A, %cond3A : i32
      scf.if %cond3A_115 {
        %dma_wait3A_420 = arith.constant 0 : i32
        %dma_wait3A_421 = arith.constant 0 : i32
        %dma_wait3A_422 = arith.constant 0 : i32
        %dma_wait3A_423 = arith.constant 0 : i32
        %dma_wait3A_424 = arith.constant 0 : i32
        %dma_wait3A_425 = tpu.memref_slice %arg6[%dma_wait3A_420, %dma_wait3A_423, %dma_wait3A_424] : memref<5x128x64xf32, #tpu.memory_space<vmem>> -> memref<1x128x64xf32, #tpu.memory_space<vmem>>
        %dma_wait3A_426 = tpu.memref_squeeze %dma_wait3A_425 : memref<1x128x64xf32, #tpu.memory_space<vmem>> -> memref<128x64xf32, #tpu.memory_space<vmem>>
        %dma_wait3A_427 = arith.constant 0 : i32
        %dma_wait3A_428 = arith.constant 0 : i32
        %dma_wait3A_429 = tpu.memref_slice %arg4[%add3A, %dma_wait3A_421, %dma_wait3A_427, %dma_wait3A_428] : memref<32x50x128x64xf32, #tpu.memory_space<hbm>> -> memref<1x1x128x64xf32, #tpu.memory_space<hbm>>
        %dma_wait3A_430 = tpu.memref_squeeze %dma_wait3A_429 : memref<1x1x128x64xf32, #tpu.memory_space<hbm>> -> memref<128x64xf32, #tpu.memory_space<hbm>>
        %dma_wait3A_431 = tpu.memref_slice %arg8[%dma_wait3A_422] : memref<5x!tpu.dma_semaphore, #tpu.memory_space<semaphore_mem>> -> memref<1x!tpu.dma_semaphore, #tpu.memory_space<semaphore_mem>>
        %dma_wait3A_432 = tpu.memref_squeeze %dma_wait3A_431 : memref<1x!tpu.dma_semaphore, #tpu.memory_space<semaphore_mem>> -> memref<!tpu.dma_semaphore, #tpu.memory_space<semaphore_mem>>
        %dma_wait3A_433 = arith.constant 0 : i32
        %dma_wait3A_434 = arith.constant 0 : i32
        %dma_wait3A_435 = tpu.memref_slice %arg4[%add3A, %dma_wait3A_421, %dma_wait3A_433, %dma_wait3A_434] : memref<32x50x128x64xf32, #tpu.memory_space<hbm>> -> memref<1x1x128x64xf32, #tpu.memory_space<hbm>>
        %dma_wait3A_436 = tpu.memref_squeeze %dma_wait3A_435 : memref<1x1x128x64xf32, #tpu.memory_space<hbm>> -> memref<128x64xf32, #tpu.memory_space<hbm>>
        %dma_wait3A_437 = arith.constant 0 : i32
        %dma_wait3A_438 = arith.constant 0 : i32
        %dma_wait3A_439 = tpu.memref_slice %arg6[%dma_wait3A_420, %dma_wait3A_437, %dma_wait3A_438] : memref<5x128x64xf32, #tpu.memory_space<vmem>> -> memref<1x128x64xf32, #tpu.memory_space<vmem>>
        %dma_wait3A_440 = tpu.memref_squeeze %dma_wait3A_439 : memref<1x128x64xf32, #tpu.memory_space<vmem>> -> memref<128x64xf32, #tpu.memory_space<vmem>>
        tpu.wait_dma2 semaphore(%dma_wait3A_432 : memref<!tpu.dma_semaphore, #tpu.memory_space<semaphore_mem>>) src(%dma_wait3A_440 : memref<128x64xf32, #tpu.memory_space<vmem>>) dst(%dma_wait3A_436 : memref<128x64xf32, #tpu.memory_space<hbm>>)
      } else {
      }
      %mul3A_116 = arith.constant 5 : i32
      %mul3A_117 = arith.muli %add3A_113, %mul3A_116 : i32
      %add3A_118 = arith.constant 0 : i32
      %add3A_119 = arith.addi %mul3A_117, %add3A_118 : i32
      %dma_start3A = arith.constant 0 : i32
      %dma_start3A_120 = arith.constant 0 : i32
      %dma_start3A_121 = arith.constant 0 : i32
      %dma_start3A_122 = arith.constant 0 : i32
      %dma_start3A_123 = tpu.memref_slice %arg6[%dma_start3A, %dma_start3A_121, %dma_start3A_122] : memref<5x128x64xf32, #tpu.memory_space<vmem>> -> memref<1x128x64xf32, #tpu.memory_space<vmem>>
      %dma_start3A_124 = tpu.memref_squeeze %dma_start3A_123 : memref<1x128x64xf32, #tpu.memory_space<vmem>> -> memref<128x64xf32, #tpu.memory_space<vmem>>
      %dma_start3A_125 = arith.constant 0 : i32
      %dma_start3A_126 = tpu.memref_slice %arg5[%add3A_119, %dma_start3A_125] : memref<50x128xi32, #tpu.memory_space<vmem>> -> memref<1x128xi32, #tpu.memory_space<vmem>>
      %dma_start3A_127 = tpu.memref_squeeze %dma_start3A_126 : memref<1x128xi32, #tpu.memory_space<vmem>> -> memref<128xi32, #tpu.memory_space<vmem>>
      %dma_start3A_128 = arith.constant 0 : i32
      %dma_start3A_129 = arith.constant 0 : i32
      %dma_start3A_130 = tpu.memref_slice %arg3[%dma_start3A_128, %dma_start3A_129] : memref<1000000x64xf32, #tpu.memory_space<hbm>> -> memref<1000000x64xf32, #tpu.memory_space<hbm>>
      %dma_start3A_131 = tpu.memref_slice %arg7[%dma_start3A_120] : memref<5x!tpu.dma_semaphore, #tpu.memory_space<semaphore_mem>> -> memref<1x!tpu.dma_semaphore, #tpu.memory_space<semaphore_mem>>
      %dma_start3A_132 = tpu.memref_squeeze %dma_start3A_131 : memref<1x!tpu.dma_semaphore, #tpu.memory_space<semaphore_mem>> -> memref<!tpu.dma_semaphore, #tpu.memory_space<semaphore_mem>>
      tpu.enqueue_indirect_dma source(%dma_start3A_130 : memref<1000000x64xf32, #tpu.memory_space<hbm>>) target(%dma_start3A_124 : memref<128x64xf32, #tpu.memory_space<vmem>>) offsets(%dma_start3A_127 : memref<128xi32, #tpu.memory_space<vmem>>) semaphore(%dma_start3A_132 : memref<!tpu.dma_semaphore, #tpu.memory_space<semaphore_mem>>)
      %gt3A_133 = arith.constant 0 : i32
      %gt3A_134 = arith.cmpi sgt, %add3A_113, %gt3A_133 : i32
      %convert_element_type3A_135 = arith.extui %gt3A_134 : i1 to i32
      %cond3A_136 = arith.constant 0 : i32
      %cond3A_137 = arith.cmpi ne, %convert_element_type3A_135, %cond3A_136 : i32
      scf.if %cond3A_137 {
        %dma_wait3A_420 = arith.constant 1 : i32
        %dma_wait3A_421 = arith.constant 0 : i32
        %dma_wait3A_422 = arith.constant 1 : i32
        %dma_wait3A_423 = arith.constant 0 : i32
        %dma_wait3A_424 = arith.constant 0 : i32
        %dma_wait3A_425 = tpu.memref_slice %arg6[%dma_wait3A_420, %dma_wait3A_423, %dma_wait3A_424] : memref<5x128x64xf32, #tpu.memory_space<vmem>> -> memref<1x128x64xf32, #tpu.memory_space<vmem>>
        %dma_wait3A_426 = tpu.memref_squeeze %dma_wait3A_425 : memref<1x128x64xf32, #tpu.memory_space<vmem>> -> memref<128x64xf32, #tpu.memory_space<vmem>>
        %dma_wait3A_427 = arith.constant 0 : i32
        %dma_wait3A_428 = arith.constant 0 : i32
        %dma_wait3A_429 = tpu.memref_slice %arg4[%add3A, %dma_wait3A_421, %dma_wait3A_427, %dma_wait3A_428] : memref<32x50x128x64xf32, #tpu.memory_space<hbm>> -> memref<1x1x128x64xf32, #tpu.memory_space<hbm>>
        %dma_wait3A_430 = tpu.memref_squeeze %dma_wait3A_429 : memref<1x1x128x64xf32, #tpu.memory_space<hbm>> -> memref<128x64xf32, #tpu.memory_space<hbm>>
        %dma_wait3A_431 = tpu.memref_slice %arg8[%dma_wait3A_422] : memref<5x!tpu.dma_semaphore, #tpu.memory_space<semaphore_mem>> -> memref<1x!tpu.dma_semaphore, #tpu.memory_space<semaphore_mem>>
        %dma_wait3A_432 = tpu.memref_squeeze %dma_wait3A_431 : memref<1x!tpu.dma_semaphore, #tpu.memory_space<semaphore_mem>> -> memref<!tpu.dma_semaphore, #tpu.memory_space<semaphore_mem>>
        %dma_wait3A_433 = arith.constant 0 : i32
        %dma_wait3A_434 = arith.constant 0 : i32
        %dma_wait3A_435 = tpu.memref_slice %arg4[%add3A, %dma_wait3A_421, %dma_wait3A_433, %dma_wait3A_434] : memref<32x50x128x64xf32, #tpu.memory_space<hbm>> -> memref<1x1x128x64xf32, #tpu.memory_space<hbm>>
        %dma_wait3A_436 = tpu.memref_squeeze %dma_wait3A_435 : memref<1x1x128x64xf32, #tpu.memory_space<hbm>> -> memref<128x64xf32, #tpu.memory_space<hbm>>
        %dma_wait3A_437 = arith.constant 0 : i32
        %dma_wait3A_438 = arith.constant 0 : i32
        %dma_wait3A_439 = tpu.memref_slice %arg6[%dma_wait3A_420, %dma_wait3A_437, %dma_wait3A_438] : memref<5x128x64xf32, #tpu.memory_space<vmem>> -> memref<1x128x64xf32, #tpu.memory_space<vmem>>
        %dma_wait3A_440 = tpu.memref_squeeze %dma_wait3A_439 : memref<1x128x64xf32, #tpu.memory_space<vmem>> -> memref<128x64xf32, #tpu.memory_space<vmem>>
        tpu.wait_dma2 semaphore(%dma_wait3A_432 : memref<!tpu.dma_semaphore, #tpu.memory_space<semaphore_mem>>) src(%dma_wait3A_440 : memref<128x64xf32, #tpu.memory_space<vmem>>) dst(%dma_wait3A_436 : memref<128x64xf32, #tpu.memory_space<hbm>>)
      } else {
      }
      %mul3A_138 = arith.constant 5 : i32
      %mul3A_139 = arith.muli %add3A_113, %mul3A_138 : i32
      %add3A_140 = arith.constant 1 : i32
      %add3A_141 = arith.addi %mul3A_139, %add3A_140 : i32
      %dma_start3A_142 = arith.constant 1 : i32
      %dma_start3A_143 = arith.constant 1 : i32
      %dma_start3A_144 = arith.constant 0 : i32
      %dma_start3A_145 = arith.constant 0 : i32
      %dma_start3A_146 = tpu.memref_slice %arg6[%dma_start3A_142, %dma_start3A_144, %dma_start3A_145] : memref<5x128x64xf32, #tpu.memory_space<vmem>> -> memref<1x128x64xf32, #tpu.memory_space<vmem>>
      %dma_start3A_147 = tpu.memref_squeeze %dma_start3A_146 : memref<1x128x64xf32, #tpu.memory_space<vmem>> -> memref<128x64xf32, #tpu.memory_space<vmem>>
      %dma_start3A_148 = arith.constant 0 : i32
      %dma_start3A_149 = tpu.memref_slice %arg5[%add3A_141, %dma_start3A_148] : memref<50x128xi32, #tpu.memory_space<vmem>> -> memref<1x128xi32, #tpu.memory_space<vmem>>
      %dma_start3A_150 = tpu.memref_squeeze %dma_start3A_149 : memref<1x128xi32, #tpu.memory_space<vmem>> -> memref<128xi32, #tpu.memory_space<vmem>>
      %dma_start3A_151 = arith.constant 0 : i32
      %dma_start3A_152 = arith.constant 0 : i32
      %dma_start3A_153 = tpu.memref_slice %arg3[%dma_start3A_151, %dma_start3A_152] : memref<1000000x64xf32, #tpu.memory_space<hbm>> -> memref<1000000x64xf32, #tpu.memory_space<hbm>>
      %dma_start3A_154 = tpu.memref_slice %arg7[%dma_start3A_143] : memref<5x!tpu.dma_semaphore, #tpu.memory_space<semaphore_mem>> -> memref<1x!tpu.dma_semaphore, #tpu.memory_space<semaphore_mem>>
      %dma_start3A_155 = tpu.memref_squeeze %dma_start3A_154 : memref<1x!tpu.dma_semaphore, #tpu.memory_space<semaphore_mem>> -> memref<!tpu.dma_semaphore, #tpu.memory_space<semaphore_mem>>
      tpu.enqueue_indirect_dma source(%dma_start3A_153 : memref<1000000x64xf32, #tpu.memory_space<hbm>>) target(%dma_start3A_147 : memref<128x64xf32, #tpu.memory_space<vmem>>) offsets(%dma_start3A_150 : memref<128xi32, #tpu.memory_space<vmem>>) semaphore(%dma_start3A_155 : memref<!tpu.dma_semaphore, #tpu.memory_space<semaphore_mem>>)
      %gt3A_156 = arith.constant 0 : i32
      %gt3A_157 = arith.cmpi sgt, %add3A_113, %gt3A_156 : i32
      %convert_element_type3A_158 = arith.extui %gt3A_157 : i1 to i32
      %cond3A_159 = arith.constant 0 : i32
      %cond3A_160 = arith.cmpi ne, %convert_element_type3A_158, %cond3A_159 : i32
      scf.if %cond3A_160 {
        %dma_wait3A_420 = arith.constant 2 : i32
        %dma_wait3A_421 = arith.constant 0 : i32
        %dma_wait3A_422 = arith.constant 2 : i32
        %dma_wait3A_423 = arith.constant 0 : i32
        %dma_wait3A_424 = arith.constant 0 : i32
        %dma_wait3A_425 = tpu.memref_slice %arg6[%dma_wait3A_420, %dma_wait3A_423, %dma_wait3A_424] : memref<5x128x64xf32, #tpu.memory_space<vmem>> -> memref<1x128x64xf32, #tpu.memory_space<vmem>>
        %dma_wait3A_426 = tpu.memref_squeeze %dma_wait3A_425 : memref<1x128x64xf32, #tpu.memory_space<vmem>> -> memref<128x64xf32, #tpu.memory_space<vmem>>
        %dma_wait3A_427 = arith.constant 0 : i32
        %dma_wait3A_428 = arith.constant 0 : i32
        %dma_wait3A_429 = tpu.memref_slice %arg4[%add3A, %dma_wait3A_421, %dma_wait3A_427, %dma_wait3A_428] : memref<32x50x128x64xf32, #tpu.memory_space<hbm>> -> memref<1x1x128x64xf32, #tpu.memory_space<hbm>>
        %dma_wait3A_430 = tpu.memref_squeeze %dma_wait3A_429 : memref<1x1x128x64xf32, #tpu.memory_space<hbm>> -> memref<128x64xf32, #tpu.memory_space<hbm>>
        %dma_wait3A_431 = tpu.memref_slice %arg8[%dma_wait3A_422] : memref<5x!tpu.dma_semaphore, #tpu.memory_space<semaphore_mem>> -> memref<1x!tpu.dma_semaphore, #tpu.memory_space<semaphore_mem>>
        %dma_wait3A_432 = tpu.memref_squeeze %dma_wait3A_431 : memref<1x!tpu.dma_semaphore, #tpu.memory_space<semaphore_mem>> -> memref<!tpu.dma_semaphore, #tpu.memory_space<semaphore_mem>>
        %dma_wait3A_433 = arith.constant 0 : i32
        %dma_wait3A_434 = arith.constant 0 : i32
        %dma_wait3A_435 = tpu.memref_slice %arg4[%add3A, %dma_wait3A_421, %dma_wait3A_433, %dma_wait3A_434] : memref<32x50x128x64xf32, #tpu.memory_space<hbm>> -> memref<1x1x128x64xf32, #tpu.memory_space<hbm>>
        %dma_wait3A_436 = tpu.memref_squeeze %dma_wait3A_435 : memref<1x1x128x64xf32, #tpu.memory_space<hbm>> -> memref<128x64xf32, #tpu.memory_space<hbm>>
        %dma_wait3A_437 = arith.constant 0 : i32
        %dma_wait3A_438 = arith.constant 0 : i32
        %dma_wait3A_439 = tpu.memref_slice %arg6[%dma_wait3A_420, %dma_wait3A_437, %dma_wait3A_438] : memref<5x128x64xf32, #tpu.memory_space<vmem>> -> memref<1x128x64xf32, #tpu.memory_space<vmem>>
        %dma_wait3A_440 = tpu.memref_squeeze %dma_wait3A_439 : memref<1x128x64xf32, #tpu.memory_space<vmem>> -> memref<128x64xf32, #tpu.memory_space<vmem>>
        tpu.wait_dma2 semaphore(%dma_wait3A_432 : memref<!tpu.dma_semaphore, #tpu.memory_space<semaphore_mem>>) src(%dma_wait3A_440 : memref<128x64xf32, #tpu.memory_space<vmem>>) dst(%dma_wait3A_436 : memref<128x64xf32, #tpu.memory_space<hbm>>)
      } else {
      }
      %mul3A_161 = arith.constant 5 : i32
      %mul3A_162 = arith.muli %add3A_113, %mul3A_161 : i32
      %add3A_163 = arith.constant 2 : i32
      %add3A_164 = arith.addi %mul3A_162, %add3A_163 : i32
      %dma_start3A_165 = arith.constant 2 : i32
      %dma_start3A_166 = arith.constant 2 : i32
      %dma_start3A_167 = arith.constant 0 : i32
      %dma_start3A_168 = arith.constant 0 : i32
      %dma_start3A_169 = tpu.memref_slice %arg6[%dma_start3A_165, %dma_start3A_167, %dma_start3A_168] : memref<5x128x64xf32, #tpu.memory_space<vmem>> -> memref<1x128x64xf32, #tpu.memory_space<vmem>>
      %dma_start3A_170 = tpu.memref_squeeze %dma_start3A_169 : memref<1x128x64xf32, #tpu.memory_space<vmem>> -> memref<128x64xf32, #tpu.memory_space<vmem>>
      %dma_start3A_171 = arith.constant 0 : i32
      %dma_start3A_172 = tpu.memref_slice %arg5[%add3A_164, %dma_start3A_171] : memref<50x128xi32, #tpu.memory_space<vmem>> -> memref<1x128xi32, #tpu.memory_space<vmem>>
      %dma_start3A_173 = tpu.memref_squeeze %dma_start3A_172 : memref<1x128xi32, #tpu.memory_space<vmem>> -> memref<128xi32, #tpu.memory_space<vmem>>
      %dma_start3A_174 = arith.constant 0 : i32
      %dma_start3A_175 = arith.constant 0 : i32
      %dma_start3A_176 = tpu.memref_slice %arg3[%dma_start3A_174, %dma_start3A_175] : memref<1000000x64xf32, #tpu.memory_space<hbm>> -> memref<1000000x64xf32, #tpu.memory_space<hbm>>
      %dma_start3A_177 = tpu.memref_slice %arg7[%dma_start3A_166] : memref<5x!tpu.dma_semaphore, #tpu.memory_space<semaphore_mem>> -> memref<1x!tpu.dma_semaphore, #tpu.memory_space<semaphore_mem>>
      %dma_start3A_178 = tpu.memref_squeeze %dma_start3A_177 : memref<1x!tpu.dma_semaphore, #tpu.memory_space<semaphore_mem>> -> memref<!tpu.dma_semaphore, #tpu.memory_space<semaphore_mem>>
      tpu.enqueue_indirect_dma source(%dma_start3A_176 : memref<1000000x64xf32, #tpu.memory_space<hbm>>) target(%dma_start3A_170 : memref<128x64xf32, #tpu.memory_space<vmem>>) offsets(%dma_start3A_173 : memref<128xi32, #tpu.memory_space<vmem>>) semaphore(%dma_start3A_178 : memref<!tpu.dma_semaphore, #tpu.memory_space<semaphore_mem>>)
      %gt3A_179 = arith.constant 0 : i32
      %gt3A_180 = arith.cmpi sgt, %add3A_113, %gt3A_179 : i32
      %convert_element_type3A_181 = arith.extui %gt3A_180 : i1 to i32
      %cond3A_182 = arith.constant 0 : i32
      %cond3A_183 = arith.cmpi ne, %convert_element_type3A_181, %cond3A_182 : i32
      scf.if %cond3A_183 {
        %dma_wait3A_420 = arith.constant 3 : i32
        %dma_wait3A_421 = arith.constant 0 : i32
        %dma_wait3A_422 = arith.constant 3 : i32
        %dma_wait3A_423 = arith.constant 0 : i32
        %dma_wait3A_424 = arith.constant 0 : i32
        %dma_wait3A_425 = tpu.memref_slice %arg6[%dma_wait3A_420, %dma_wait3A_423, %dma_wait3A_424] : memref<5x128x64xf32, #tpu.memory_space<vmem>> -> memref<1x128x64xf32, #tpu.memory_space<vmem>>
        %dma_wait3A_426 = tpu.memref_squeeze %dma_wait3A_425 : memref<1x128x64xf32, #tpu.memory_space<vmem>> -> memref<128x64xf32, #tpu.memory_space<vmem>>
        %dma_wait3A_427 = arith.constant 0 : i32
        %dma_wait3A_428 = arith.constant 0 : i32
        %dma_wait3A_429 = tpu.memref_slice %arg4[%add3A, %dma_wait3A_421, %dma_wait3A_427, %dma_wait3A_428] : memref<32x50x128x64xf32, #tpu.memory_space<hbm>> -> memref<1x1x128x64xf32, #tpu.memory_space<hbm>>
        %dma_wait3A_430 = tpu.memref_squeeze %dma_wait3A_429 : memref<1x1x128x64xf32, #tpu.memory_space<hbm>> -> memref<128x64xf32, #tpu.memory_space<hbm>>
        %dma_wait3A_431 = tpu.memref_slice %arg8[%dma_wait3A_422] : memref<5x!tpu.dma_semaphore, #tpu.memory_space<semaphore_mem>> -> memref<1x!tpu.dma_semaphore, #tpu.memory_space<semaphore_mem>>
        %dma_wait3A_432 = tpu.memref_squeeze %dma_wait3A_431 : memref<1x!tpu.dma_semaphore, #tpu.memory_space<semaphore_mem>> -> memref<!tpu.dma_semaphore, #tpu.memory_space<semaphore_mem>>
        %dma_wait3A_433 = arith.constant 0 : i32
        %dma_wait3A_434 = arith.constant 0 : i32
        %dma_wait3A_435 = tpu.memref_slice %arg4[%add3A, %dma_wait3A_421, %dma_wait3A_433, %dma_wait3A_434] : memref<32x50x128x64xf32, #tpu.memory_space<hbm>> -> memref<1x1x128x64xf32, #tpu.memory_space<hbm>>
        %dma_wait3A_436 = tpu.memref_squeeze %dma_wait3A_435 : memref<1x1x128x64xf32, #tpu.memory_space<hbm>> -> memref<128x64xf32, #tpu.memory_space<hbm>>
        %dma_wait3A_437 = arith.constant 0 : i32
        %dma_wait3A_438 = arith.constant 0 : i32
        %dma_wait3A_439 = tpu.memref_slice %arg6[%dma_wait3A_420, %dma_wait3A_437, %dma_wait3A_438] : memref<5x128x64xf32, #tpu.memory_space<vmem>> -> memref<1x128x64xf32, #tpu.memory_space<vmem>>
        %dma_wait3A_440 = tpu.memref_squeeze %dma_wait3A_439 : memref<1x128x64xf32, #tpu.memory_space<vmem>> -> memref<128x64xf32, #tpu.memory_space<vmem>>
        tpu.wait_dma2 semaphore(%dma_wait3A_432 : memref<!tpu.dma_semaphore, #tpu.memory_space<semaphore_mem>>) src(%dma_wait3A_440 : memref<128x64xf32, #tpu.memory_space<vmem>>) dst(%dma_wait3A_436 : memref<128x64xf32, #tpu.memory_space<hbm>>)
      } else {
      }
      %mul3A_184 = arith.constant 5 : i32
      %mul3A_185 = arith.muli %add3A_113, %mul3A_184 : i32
      %add3A_186 = arith.constant 3 : i32
      %add3A_187 = arith.addi %mul3A_185, %add3A_186 : i32
      %dma_start3A_188 = arith.constant 3 : i32
      %dma_start3A_189 = arith.constant 3 : i32
      %dma_start3A_190 = arith.constant 0 : i32
      %dma_start3A_191 = arith.constant 0 : i32
      %dma_start3A_192 = tpu.memref_slice %arg6[%dma_start3A_188, %dma_start3A_190, %dma_start3A_191] : memref<5x128x64xf32, #tpu.memory_space<vmem>> -> memref<1x128x64xf32, #tpu.memory_space<vmem>>
      %dma_start3A_193 = tpu.memref_squeeze %dma_start3A_192 : memref<1x128x64xf32, #tpu.memory_space<vmem>> -> memref<128x64xf32, #tpu.memory_space<vmem>>
      %dma_start3A_194 = arith.constant 0 : i32
      %dma_start3A_195 = tpu.memref_slice %arg5[%add3A_187, %dma_start3A_194] : memref<50x128xi32, #tpu.memory_space<vmem>> -> memref<1x128xi32, #tpu.memory_space<vmem>>
      %dma_start3A_196 = tpu.memref_squeeze %dma_start3A_195 : memref<1x128xi32, #tpu.memory_space<vmem>> -> memref<128xi32, #tpu.memory_space<vmem>>
      %dma_start3A_197 = arith.constant 0 : i32
      %dma_start3A_198 = arith.constant 0 : i32
      %dma_start3A_199 = tpu.memref_slice %arg3[%dma_start3A_197, %dma_start3A_198] : memref<1000000x64xf32, #tpu.memory_space<hbm>> -> memref<1000000x64xf32, #tpu.memory_space<hbm>>
      %dma_start3A_200 = tpu.memref_slice %arg7[%dma_start3A_189] : memref<5x!tpu.dma_semaphore, #tpu.memory_space<semaphore_mem>> -> memref<1x!tpu.dma_semaphore, #tpu.memory_space<semaphore_mem>>
      %dma_start3A_201 = tpu.memref_squeeze %dma_start3A_200 : memref<1x!tpu.dma_semaphore, #tpu.memory_space<semaphore_mem>> -> memref<!tpu.dma_semaphore, #tpu.memory_space<semaphore_mem>>
      tpu.enqueue_indirect_dma source(%dma_start3A_199 : memref<1000000x64xf32, #tpu.memory_space<hbm>>) target(%dma_start3A_193 : memref<128x64xf32, #tpu.memory_space<vmem>>) offsets(%dma_start3A_196 : memref<128xi32, #tpu.memory_space<vmem>>) semaphore(%dma_start3A_201 : memref<!tpu.dma_semaphore, #tpu.memory_space<semaphore_mem>>)
      %gt3A_202 = arith.constant 0 : i32
      %gt3A_203 = arith.cmpi sgt, %add3A_113, %gt3A_202 : i32
      %convert_element_type3A_204 = arith.extui %gt3A_203 : i1 to i32
      %cond3A_205 = arith.constant 0 : i32
      %cond3A_206 = arith.cmpi ne, %convert_element_type3A_204, %cond3A_205 : i32
      scf.if %cond3A_206 {
        %dma_wait3A_420 = arith.constant 4 : i32
        %dma_wait3A_421 = arith.constant 0 : i32
        %dma_wait3A_422 = arith.constant 4 : i32
        %dma_wait3A_423 = arith.constant 0 : i32
        %dma_wait3A_424 = arith.constant 0 : i32
        %dma_wait3A_425 = tpu.memref_slice %arg6[%dma_wait3A_420, %dma_wait3A_423, %dma_wait3A_424] : memref<5x128x64xf32, #tpu.memory_space<vmem>> -> memref<1x128x64xf32, #tpu.memory_space<vmem>>
        %dma_wait3A_426 = tpu.memref_squeeze %dma_wait3A_425 : memref<1x128x64xf32, #tpu.memory_space<vmem>> -> memref<128x64xf32, #tpu.memory_space<vmem>>
        %dma_wait3A_427 = arith.constant 0 : i32
        %dma_wait3A_428 = arith.constant 0 : i32
        %dma_wait3A_429 = tpu.memref_slice %arg4[%add3A, %dma_wait3A_421, %dma_wait3A_427, %dma_wait3A_428] : memref<32x50x128x64xf32, #tpu.memory_space<hbm>> -> memref<1x1x128x64xf32, #tpu.memory_space<hbm>>
        %dma_wait3A_430 = tpu.memref_squeeze %dma_wait3A_429 : memref<1x1x128x64xf32, #tpu.memory_space<hbm>> -> memref<128x64xf32, #tpu.memory_space<hbm>>
        %dma_wait3A_431 = tpu.memref_slice %arg8[%dma_wait3A_422] : memref<5x!tpu.dma_semaphore, #tpu.memory_space<semaphore_mem>> -> memref<1x!tpu.dma_semaphore, #tpu.memory_space<semaphore_mem>>
        %dma_wait3A_432 = tpu.memref_squeeze %dma_wait3A_431 : memref<1x!tpu.dma_semaphore, #tpu.memory_space<semaphore_mem>> -> memref<!tpu.dma_semaphore, #tpu.memory_space<semaphore_mem>>
        %dma_wait3A_433 = arith.constant 0 : i32
        %dma_wait3A_434 = arith.constant 0 : i32
        %dma_wait3A_435 = tpu.memref_slice %arg4[%add3A, %dma_wait3A_421, %dma_wait3A_433, %dma_wait3A_434] : memref<32x50x128x64xf32, #tpu.memory_space<hbm>> -> memref<1x1x128x64xf32, #tpu.memory_space<hbm>>
        %dma_wait3A_436 = tpu.memref_squeeze %dma_wait3A_435 : memref<1x1x128x64xf32, #tpu.memory_space<hbm>> -> memref<128x64xf32, #tpu.memory_space<hbm>>
        %dma_wait3A_437 = arith.constant 0 : i32
        %dma_wait3A_438 = arith.constant 0 : i32
        %dma_wait3A_439 = tpu.memref_slice %arg6[%dma_wait3A_420, %dma_wait3A_437, %dma_wait3A_438] : memref<5x128x64xf32, #tpu.memory_space<vmem>> -> memref<1x128x64xf32, #tpu.memory_space<vmem>>
        %dma_wait3A_440 = tpu.memref_squeeze %dma_wait3A_439 : memref<1x128x64xf32, #tpu.memory_space<vmem>> -> memref<128x64xf32, #tpu.memory_space<vmem>>
        tpu.wait_dma2 semaphore(%dma_wait3A_432 : memref<!tpu.dma_semaphore, #tpu.memory_space<semaphore_mem>>) src(%dma_wait3A_440 : memref<128x64xf32, #tpu.memory_space<vmem>>) dst(%dma_wait3A_436 : memref<128x64xf32, #tpu.memory_space<hbm>>)
      } else {
      }
      %mul3A_207 = arith.constant 5 : i32
      %mul3A_208 = arith.muli %add3A_113, %mul3A_207 : i32
      %add3A_209 = arith.constant 4 : i32
      %add3A_210 = arith.addi %mul3A_208, %add3A_209 : i32
      %dma_start3A_211 = arith.constant 4 : i32
      %dma_start3A_212 = arith.constant 4 : i32
      %dma_start3A_213 = arith.constant 0 : i32
      %dma_start3A_214 = arith.constant 0 : i32
      %dma_start3A_215 = tpu.memref_slice %arg6[%dma_start3A_211, %dma_start3A_213, %dma_start3A_214] : memref<5x128x64xf32, #tpu.memory_space<vmem>> -> memref<1x128x64xf32, #tpu.memory_space<vmem>>
      %dma_start3A_216 = tpu.memref_squeeze %dma_start3A_215 : memref<1x128x64xf32, #tpu.memory_space<vmem>> -> memref<128x64xf32, #tpu.memory_space<vmem>>
      %dma_start3A_217 = arith.constant 0 : i32
      %dma_start3A_218 = tpu.memref_slice %arg5[%add3A_210, %dma_start3A_217] : memref<50x128xi32, #tpu.memory_space<vmem>> -> memref<1x128xi32, #tpu.memory_space<vmem>>
      %dma_start3A_219 = tpu.memref_squeeze %dma_start3A_218 : memref<1x128xi32, #tpu.memory_space<vmem>> -> memref<128xi32, #tpu.memory_space<vmem>>
      %dma_start3A_220 = arith.constant 0 : i32
      %dma_start3A_221 = arith.constant 0 : i32
      %dma_start3A_222 = tpu.memref_slice %arg3[%dma_start3A_220, %dma_start3A_221] : memref<1000000x64xf32, #tpu.memory_space<hbm>> -> memref<1000000x64xf32, #tpu.memory_space<hbm>>
      %dma_start3A_223 = tpu.memref_slice %arg7[%dma_start3A_212] : memref<5x!tpu.dma_semaphore, #tpu.memory_space<semaphore_mem>> -> memref<1x!tpu.dma_semaphore, #tpu.memory_space<semaphore_mem>>
      %dma_start3A_224 = tpu.memref_squeeze %dma_start3A_223 : memref<1x!tpu.dma_semaphore, #tpu.memory_space<semaphore_mem>> -> memref<!tpu.dma_semaphore, #tpu.memory_space<semaphore_mem>>
      tpu.enqueue_indirect_dma source(%dma_start3A_222 : memref<1000000x64xf32, #tpu.memory_space<hbm>>) target(%dma_start3A_216 : memref<128x64xf32, #tpu.memory_space<vmem>>) offsets(%dma_start3A_219 : memref<128xi32, #tpu.memory_space<vmem>>) semaphore(%dma_start3A_224 : memref<!tpu.dma_semaphore, #tpu.memory_space<semaphore_mem>>)
      %dma_wait3A_225 = arith.constant 0 : i32
      %dma_wait3A_226 = arith.constant 0 : i32
      %dma_wait3A_227 = arith.constant 0 : i32
      %dma_wait3A_228 = arith.constant 0 : i32
      %dma_wait3A_229 = arith.constant 0 : i32
      %dma_wait3A_230 = tpu.memref_slice %arg6[%dma_wait3A_226, %dma_wait3A_228, %dma_wait3A_229] : memref<5x128x64xf32, #tpu.memory_space<vmem>> -> memref<1x128x64xf32, #tpu.memory_space<vmem>>
      %dma_wait3A_231 = tpu.memref_squeeze %dma_wait3A_230 : memref<1x128x64xf32, #tpu.memory_space<vmem>> -> memref<128x64xf32, #tpu.memory_space<vmem>>
      %dma_wait3A_232 = arith.constant 0 : i32
      %dma_wait3A_233 = tpu.memref_slice %arg5[%dma_wait3A_225, %dma_wait3A_232] : memref<50x128xi32, #tpu.memory_space<vmem>> -> memref<1x128xi32, #tpu.memory_space<vmem>>
      %dma_wait3A_234 = tpu.memref_squeeze %dma_wait3A_233 : memref<1x128xi32, #tpu.memory_space<vmem>> -> memref<128xi32, #tpu.memory_space<vmem>>
      %dma_wait3A_235 = arith.constant 0 : i32
      %dma_wait3A_236 = arith.constant 0 : i32
      %dma_wait3A_237 = tpu.memref_slice %arg3[%dma_wait3A_235, %dma_wait3A_236] : memref<1000000x64xf32, #tpu.memory_space<hbm>> -> memref<1000000x64xf32, #tpu.memory_space<hbm>>
      %dma_wait3A_238 = tpu.memref_slice %arg7[%dma_wait3A_227] : memref<5x!tpu.dma_semaphore, #tpu.memory_space<semaphore_mem>> -> memref<1x!tpu.dma_semaphore, #tpu.memory_space<semaphore_mem>>
      %dma_wait3A_239 = tpu.memref_squeeze %dma_wait3A_238 : memref<1x!tpu.dma_semaphore, #tpu.memory_space<semaphore_mem>> -> memref<!tpu.dma_semaphore, #tpu.memory_space<semaphore_mem>>
      tpu.wait_indirect_dma semaphore(%dma_wait3A_239 : memref<!tpu.dma_semaphore, #tpu.memory_space<semaphore_mem>>) src(%dma_wait3A_237 : memref<1000000x64xf32, #tpu.memory_space<hbm>>) dst(%dma_wait3A_231 : memref<128x64xf32, #tpu.memory_space<vmem>>)
      %mul3A_240 = arith.constant 5 : i32
      %mul3A_241 = arith.muli %add3A_113, %mul3A_240 : i32
      %add3A_242 = arith.constant 0 : i32
      %add3A_243 = arith.addi %mul3A_241, %add3A_242 : i32
      %dma_start3A_244 = arith.constant 0 : i32
      %dma_start3A_245 = arith.constant 0 : i32
      %dma_start3A_246 = arith.constant 0 : i32
      %dma_start3A_247 = arith.constant 0 : i32
      %dma_start3A_248 = tpu.memref_slice %arg6[%dma_start3A_244, %dma_start3A_246, %dma_start3A_247] : memref<5x128x64xf32, #tpu.memory_space<vmem>> -> memref<1x128x64xf32, #tpu.memory_space<vmem>>
      %dma_start3A_249 = tpu.memref_squeeze %dma_start3A_248 : memref<1x128x64xf32, #tpu.memory_space<vmem>> -> memref<128x64xf32, #tpu.memory_space<vmem>>
      %dma_start3A_250 = arith.constant 0 : i32
      %dma_start3A_251 = arith.constant 0 : i32
      %dma_start3A_252 = tpu.memref_slice %arg4[%add3A, %add3A_243, %dma_start3A_250, %dma_start3A_251] : memref<32x50x128x64xf32, #tpu.memory_space<hbm>> -> memref<1x1x128x64xf32, #tpu.memory_space<hbm>>
      %dma_start3A_253 = tpu.memref_squeeze %dma_start3A_252 : memref<1x1x128x64xf32, #tpu.memory_space<hbm>> -> memref<128x64xf32, #tpu.memory_space<hbm>>
      %dma_start3A_254 = tpu.memref_slice %arg8[%dma_start3A_245] : memref<5x!tpu.dma_semaphore, #tpu.memory_space<semaphore_mem>> -> memref<1x!tpu.dma_semaphore, #tpu.memory_space<semaphore_mem>>
      %dma_start3A_255 = tpu.memref_squeeze %dma_start3A_254 : memref<1x!tpu.dma_semaphore, #tpu.memory_space<semaphore_mem>> -> memref<!tpu.dma_semaphore, #tpu.memory_space<semaphore_mem>>
      %dma_start3A_256 = arith.constant 0 : i32
      %dma_start3A_257 = arith.constant 0 : i32
      %dma_start3A_258 = tpu.memref_slice %arg4[%add3A, %add3A_243, %dma_start3A_256, %dma_start3A_257] : memref<32x50x128x64xf32, #tpu.memory_space<hbm>> -> memref<1x1x128x64xf32, #tpu.memory_space<hbm>>
      %dma_start3A_259 = tpu.memref_squeeze %dma_start3A_258 : memref<1x1x128x64xf32, #tpu.memory_space<hbm>> -> memref<128x64xf32, #tpu.memory_space<hbm>>
      %dma_start3A_260 = arith.constant 0 : i32
      %dma_start3A_261 = arith.constant 0 : i32
      %dma_start3A_262 = tpu.memref_slice %arg6[%dma_start3A_244, %dma_start3A_260, %dma_start3A_261] : memref<5x128x64xf32, #tpu.memory_space<vmem>> -> memref<1x128x64xf32, #tpu.memory_space<vmem>>
      %dma_start3A_263 = tpu.memref_squeeze %dma_start3A_262 : memref<1x128x64xf32, #tpu.memory_space<vmem>> -> memref<128x64xf32, #tpu.memory_space<vmem>>
      tpu.enqueue_dma source(%dma_start3A_263 : memref<128x64xf32, #tpu.memory_space<vmem>>) target(%dma_start3A_259 : memref<128x64xf32, #tpu.memory_space<hbm>>) target_semaphore(%dma_start3A_255 : memref<!tpu.dma_semaphore, #tpu.memory_space<semaphore_mem>>)
      %dma_wait3A_264 = arith.constant 0 : i32
      %dma_wait3A_265 = arith.constant 1 : i32
      %dma_wait3A_266 = arith.constant 1 : i32
      %dma_wait3A_267 = arith.constant 0 : i32
      %dma_wait3A_268 = arith.constant 0 : i32
      %dma_wait3A_269 = tpu.memref_slice %arg6[%dma_wait3A_265, %dma_wait3A_267, %dma_wait3A_268] : memref<5x128x64xf32, #tpu.memory_space<vmem>> -> memref<1x128x64xf32, #tpu.memory_space<vmem>>
      %dma_wait3A_270 = tpu.memref_squeeze %dma_wait3A_269 : memref<1x128x64xf32, #tpu.memory_space<vmem>> -> memref<128x64xf32, #tpu.memory_space<vmem>>
      %dma_wait3A_271 = arith.constant 0 : i32
      %dma_wait3A_272 = tpu.memref_slice %arg5[%dma_wait3A_264, %dma_wait3A_271] : memref<50x128xi32, #tpu.memory_space<vmem>> -> memref<1x128xi32, #tpu.memory_space<vmem>>
      %dma_wait3A_273 = tpu.memref_squeeze %dma_wait3A_272 : memref<1x128xi32, #tpu.memory_space<vmem>> -> memref<128xi32, #tpu.memory_space<vmem>>
      %dma_wait3A_274 = arith.constant 0 : i32
      %dma_wait3A_275 = arith.constant 0 : i32
      %dma_wait3A_276 = tpu.memref_slice %arg3[%dma_wait3A_274, %dma_wait3A_275] : memref<1000000x64xf32, #tpu.memory_space<hbm>> -> memref<1000000x64xf32, #tpu.memory_space<hbm>>
      %dma_wait3A_277 = tpu.memref_slice %arg7[%dma_wait3A_266] : memref<5x!tpu.dma_semaphore, #tpu.memory_space<semaphore_mem>> -> memref<1x!tpu.dma_semaphore, #tpu.memory_space<semaphore_mem>>
      %dma_wait3A_278 = tpu.memref_squeeze %dma_wait3A_277 : memref<1x!tpu.dma_semaphore, #tpu.memory_space<semaphore_mem>> -> memref<!tpu.dma_semaphore, #tpu.memory_space<semaphore_mem>>
      tpu.wait_indirect_dma semaphore(%dma_wait3A_278 : memref<!tpu.dma_semaphore, #tpu.memory_space<semaphore_mem>>) src(%dma_wait3A_276 : memref<1000000x64xf32, #tpu.memory_space<hbm>>) dst(%dma_wait3A_270 : memref<128x64xf32, #tpu.memory_space<vmem>>)
      %mul3A_279 = arith.constant 5 : i32
      %mul3A_280 = arith.muli %add3A_113, %mul3A_279 : i32
      %add3A_281 = arith.constant 1 : i32
      %add3A_282 = arith.addi %mul3A_280, %add3A_281 : i32
      %dma_start3A_283 = arith.constant 1 : i32
      %dma_start3A_284 = arith.constant 1 : i32
      %dma_start3A_285 = arith.constant 0 : i32
      %dma_start3A_286 = arith.constant 0 : i32
      %dma_start3A_287 = tpu.memref_slice %arg6[%dma_start3A_283, %dma_start3A_285, %dma_start3A_286] : memref<5x128x64xf32, #tpu.memory_space<vmem>> -> memref<1x128x64xf32, #tpu.memory_space<vmem>>
      %dma_start3A_288 = tpu.memref_squeeze %dma_start3A_287 : memref<1x128x64xf32, #tpu.memory_space<vmem>> -> memref<128x64xf32, #tpu.memory_space<vmem>>
      %dma_start3A_289 = arith.constant 0 : i32
      %dma_start3A_290 = arith.constant 0 : i32
      %dma_start3A_291 = tpu.memref_slice %arg4[%add3A, %add3A_282, %dma_start3A_289, %dma_start3A_290] : memref<32x50x128x64xf32, #tpu.memory_space<hbm>> -> memref<1x1x128x64xf32, #tpu.memory_space<hbm>>
      %dma_start3A_292 = tpu.memref_squeeze %dma_start3A_291 : memref<1x1x128x64xf32, #tpu.memory_space<hbm>> -> memref<128x64xf32, #tpu.memory_space<hbm>>
      %dma_start3A_293 = tpu.memref_slice %arg8[%dma_start3A_284] : memref<5x!tpu.dma_semaphore, #tpu.memory_space<semaphore_mem>> -> memref<1x!tpu.dma_semaphore, #tpu.memory_space<semaphore_mem>>
      %dma_start3A_294 = tpu.memref_squeeze %dma_start3A_293 : memref<1x!tpu.dma_semaphore, #tpu.memory_space<semaphore_mem>> -> memref<!tpu.dma_semaphore, #tpu.memory_space<semaphore_mem>>
      %dma_start3A_295 = arith.constant 0 : i32
      %dma_start3A_296 = arith.constant 0 : i32
      %dma_start3A_297 = tpu.memref_slice %arg4[%add3A, %add3A_282, %dma_start3A_295, %dma_start3A_296] : memref<32x50x128x64xf32, #tpu.memory_space<hbm>> -> memref<1x1x128x64xf32, #tpu.memory_space<hbm>>
      %dma_start3A_298 = tpu.memref_squeeze %dma_start3A_297 : memref<1x1x128x64xf32, #tpu.memory_space<hbm>> -> memref<128x64xf32, #tpu.memory_space<hbm>>
      %dma_start3A_299 = arith.constant 0 : i32
      %dma_start3A_300 = arith.constant 0 : i32
      %dma_start3A_301 = tpu.memref_slice %arg6[%dma_start3A_283, %dma_start3A_299, %dma_start3A_300] : memref<5x128x64xf32, #tpu.memory_space<vmem>> -> memref<1x128x64xf32, #tpu.memory_space<vmem>>
      %dma_start3A_302 = tpu.memref_squeeze %dma_start3A_301 : memref<1x128x64xf32, #tpu.memory_space<vmem>> -> memref<128x64xf32, #tpu.memory_space<vmem>>
      tpu.enqueue_dma source(%dma_start3A_302 : memref<128x64xf32, #tpu.memory_space<vmem>>) target(%dma_start3A_298 : memref<128x64xf32, #tpu.memory_space<hbm>>) target_semaphore(%dma_start3A_294 : memref<!tpu.dma_semaphore, #tpu.memory_space<semaphore_mem>>)
      %dma_wait3A_303 = arith.constant 0 : i32
      %dma_wait3A_304 = arith.constant 2 : i32
      %dma_wait3A_305 = arith.constant 2 : i32
      %dma_wait3A_306 = arith.constant 0 : i32
      %dma_wait3A_307 = arith.constant 0 : i32
      %dma_wait3A_308 = tpu.memref_slice %arg6[%dma_wait3A_304, %dma_wait3A_306, %dma_wait3A_307] : memref<5x128x64xf32, #tpu.memory_space<vmem>> -> memref<1x128x64xf32, #tpu.memory_space<vmem>>
      %dma_wait3A_309 = tpu.memref_squeeze %dma_wait3A_308 : memref<1x128x64xf32, #tpu.memory_space<vmem>> -> memref<128x64xf32, #tpu.memory_space<vmem>>
      %dma_wait3A_310 = arith.constant 0 : i32
      %dma_wait3A_311 = tpu.memref_slice %arg5[%dma_wait3A_303, %dma_wait3A_310] : memref<50x128xi32, #tpu.memory_space<vmem>> -> memref<1x128xi32, #tpu.memory_space<vmem>>
      %dma_wait3A_312 = tpu.memref_squeeze %dma_wait3A_311 : memref<1x128xi32, #tpu.memory_space<vmem>> -> memref<128xi32, #tpu.memory_space<vmem>>
      %dma_wait3A_313 = arith.constant 0 : i32
      %dma_wait3A_314 = arith.constant 0 : i32
      %dma_wait3A_315 = tpu.memref_slice %arg3[%dma_wait3A_313, %dma_wait3A_314] : memref<1000000x64xf32, #tpu.memory_space<hbm>> -> memref<1000000x64xf32, #tpu.memory_space<hbm>>
      %dma_wait3A_316 = tpu.memref_slice %arg7[%dma_wait3A_305] : memref<5x!tpu.dma_semaphore, #tpu.memory_space<semaphore_mem>> -> memref<1x!tpu.dma_semaphore, #tpu.memory_space<semaphore_mem>>
      %dma_wait3A_317 = tpu.memref_squeeze %dma_wait3A_316 : memref<1x!tpu.dma_semaphore, #tpu.memory_space<semaphore_mem>> -> memref<!tpu.dma_semaphore, #tpu.memory_space<semaphore_mem>>
      tpu.wait_indirect_dma semaphore(%dma_wait3A_317 : memref<!tpu.dma_semaphore, #tpu.memory_space<semaphore_mem>>) src(%dma_wait3A_315 : memref<1000000x64xf32, #tpu.memory_space<hbm>>) dst(%dma_wait3A_309 : memref<128x64xf32, #tpu.memory_space<vmem>>)
      %mul3A_318 = arith.constant 5 : i32
      %mul3A_319 = arith.muli %add3A_113, %mul3A_318 : i32
      %add3A_320 = arith.constant 2 : i32
      %add3A_321 = arith.addi %mul3A_319, %add3A_320 : i32
      %dma_start3A_322 = arith.constant 2 : i32
      %dma_start3A_323 = arith.constant 2 : i32
      %dma_start3A_324 = arith.constant 0 : i32
      %dma_start3A_325 = arith.constant 0 : i32
      %dma_start3A_326 = tpu.memref_slice %arg6[%dma_start3A_322, %dma_start3A_324, %dma_start3A_325] : memref<5x128x64xf32, #tpu.memory_space<vmem>> -> memref<1x128x64xf32, #tpu.memory_space<vmem>>
      %dma_start3A_327 = tpu.memref_squeeze %dma_start3A_326 : memref<1x128x64xf32, #tpu.memory_space<vmem>> -> memref<128x64xf32, #tpu.memory_space<vmem>>
      %dma_start3A_328 = arith.constant 0 : i32
      %dma_start3A_329 = arith.constant 0 : i32
      %dma_start3A_330 = tpu.memref_slice %arg4[%add3A, %add3A_321, %dma_start3A_328, %dma_start3A_329] : memref<32x50x128x64xf32, #tpu.memory_space<hbm>> -> memref<1x1x128x64xf32, #tpu.memory_space<hbm>>
      %dma_start3A_331 = tpu.memref_squeeze %dma_start3A_330 : memref<1x1x128x64xf32, #tpu.memory_space<hbm>> -> memref<128x64xf32, #tpu.memory_space<hbm>>
      %dma_start3A_332 = tpu.memref_slice %arg8[%dma_start3A_323] : memref<5x!tpu.dma_semaphore, #tpu.memory_space<semaphore_mem>> -> memref<1x!tpu.dma_semaphore, #tpu.memory_space<semaphore_mem>>
      %dma_start3A_333 = tpu.memref_squeeze %dma_start3A_332 : memref<1x!tpu.dma_semaphore, #tpu.memory_space<semaphore_mem>> -> memref<!tpu.dma_semaphore, #tpu.memory_space<semaphore_mem>>
      %dma_start3A_334 = arith.constant 0 : i32
      %dma_start3A_335 = arith.constant 0 : i32
      %dma_start3A_336 = tpu.memref_slice %arg4[%add3A, %add3A_321, %dma_start3A_334, %dma_start3A_335] : memref<32x50x128x64xf32, #tpu.memory_space<hbm>> -> memref<1x1x128x64xf32, #tpu.memory_space<hbm>>
      %dma_start3A_337 = tpu.memref_squeeze %dma_start3A_336 : memref<1x1x128x64xf32, #tpu.memory_space<hbm>> -> memref<128x64xf32, #tpu.memory_space<hbm>>
      %dma_start3A_338 = arith.constant 0 : i32
      %dma_start3A_339 = arith.constant 0 : i32
      %dma_start3A_340 = tpu.memref_slice %arg6[%dma_start3A_322, %dma_start3A_338, %dma_start3A_339] : memref<5x128x64xf32, #tpu.memory_space<vmem>> -> memref<1x128x64xf32, #tpu.memory_space<vmem>>
      %dma_start3A_341 = tpu.memref_squeeze %dma_start3A_340 : memref<1x128x64xf32, #tpu.memory_space<vmem>> -> memref<128x64xf32, #tpu.memory_space<vmem>>
      tpu.enqueue_dma source(%dma_start3A_341 : memref<128x64xf32, #tpu.memory_space<vmem>>) target(%dma_start3A_337 : memref<128x64xf32, #tpu.memory_space<hbm>>) target_semaphore(%dma_start3A_333 : memref<!tpu.dma_semaphore, #tpu.memory_space<semaphore_mem>>)
      %dma_wait3A_342 = arith.constant 0 : i32
      %dma_wait3A_343 = arith.constant 3 : i32
      %dma_wait3A_344 = arith.constant 3 : i32
      %dma_wait3A_345 = arith.constant 0 : i32
      %dma_wait3A_346 = arith.constant 0 : i32
      %dma_wait3A_347 = tpu.memref_slice %arg6[%dma_wait3A_343, %dma_wait3A_345, %dma_wait3A_346] : memref<5x128x64xf32, #tpu.memory_space<vmem>> -> memref<1x128x64xf32, #tpu.memory_space<vmem>>
      %dma_wait3A_348 = tpu.memref_squeeze %dma_wait3A_347 : memref<1x128x64xf32, #tpu.memory_space<vmem>> -> memref<128x64xf32, #tpu.memory_space<vmem>>
      %dma_wait3A_349 = arith.constant 0 : i32
      %dma_wait3A_350 = tpu.memref_slice %arg5[%dma_wait3A_342, %dma_wait3A_349] : memref<50x128xi32, #tpu.memory_space<vmem>> -> memref<1x128xi32, #tpu.memory_space<vmem>>
      %dma_wait3A_351 = tpu.memref_squeeze %dma_wait3A_350 : memref<1x128xi32, #tpu.memory_space<vmem>> -> memref<128xi32, #tpu.memory_space<vmem>>
      %dma_wait3A_352 = arith.constant 0 : i32
      %dma_wait3A_353 = arith.constant 0 : i32
      %dma_wait3A_354 = tpu.memref_slice %arg3[%dma_wait3A_352, %dma_wait3A_353] : memref<1000000x64xf32, #tpu.memory_space<hbm>> -> memref<1000000x64xf32, #tpu.memory_space<hbm>>
      %dma_wait3A_355 = tpu.memref_slice %arg7[%dma_wait3A_344] : memref<5x!tpu.dma_semaphore, #tpu.memory_space<semaphore_mem>> -> memref<1x!tpu.dma_semaphore, #tpu.memory_space<semaphore_mem>>
      %dma_wait3A_356 = tpu.memref_squeeze %dma_wait3A_355 : memref<1x!tpu.dma_semaphore, #tpu.memory_space<semaphore_mem>> -> memref<!tpu.dma_semaphore, #tpu.memory_space<semaphore_mem>>
      tpu.wait_indirect_dma semaphore(%dma_wait3A_356 : memref<!tpu.dma_semaphore, #tpu.memory_space<semaphore_mem>>) src(%dma_wait3A_354 : memref<1000000x64xf32, #tpu.memory_space<hbm>>) dst(%dma_wait3A_348 : memref<128x64xf32, #tpu.memory_space<vmem>>)
      %mul3A_357 = arith.constant 5 : i32
      %mul3A_358 = arith.muli %add3A_113, %mul3A_357 : i32
      %add3A_359 = arith.constant 3 : i32
      %add3A_360 = arith.addi %mul3A_358, %add3A_359 : i32
      %dma_start3A_361 = arith.constant 3 : i32
      %dma_start3A_362 = arith.constant 3 : i32
      %dma_start3A_363 = arith.constant 0 : i32
      %dma_start3A_364 = arith.constant 0 : i32
      %dma_start3A_365 = tpu.memref_slice %arg6[%dma_start3A_361, %dma_start3A_363, %dma_start3A_364] : memref<5x128x64xf32, #tpu.memory_space<vmem>> -> memref<1x128x64xf32, #tpu.memory_space<vmem>>
      %dma_start3A_366 = tpu.memref_squeeze %dma_start3A_365 : memref<1x128x64xf32, #tpu.memory_space<vmem>> -> memref<128x64xf32, #tpu.memory_space<vmem>>
      %dma_start3A_367 = arith.constant 0 : i32
      %dma_start3A_368 = arith.constant 0 : i32
      %dma_start3A_369 = tpu.memref_slice %arg4[%add3A, %add3A_360, %dma_start3A_367, %dma_start3A_368] : memref<32x50x128x64xf32, #tpu.memory_space<hbm>> -> memref<1x1x128x64xf32, #tpu.memory_space<hbm>>
      %dma_start3A_370 = tpu.memref_squeeze %dma_start3A_369 : memref<1x1x128x64xf32, #tpu.memory_space<hbm>> -> memref<128x64xf32, #tpu.memory_space<hbm>>
      %dma_start3A_371 = tpu.memref_slice %arg8[%dma_start3A_362] : memref<5x!tpu.dma_semaphore, #tpu.memory_space<semaphore_mem>> -> memref<1x!tpu.dma_semaphore, #tpu.memory_space<semaphore_mem>>
      %dma_start3A_372 = tpu.memref_squeeze %dma_start3A_371 : memref<1x!tpu.dma_semaphore, #tpu.memory_space<semaphore_mem>> -> memref<!tpu.dma_semaphore, #tpu.memory_space<semaphore_mem>>
      %dma_start3A_373 = arith.constant 0 : i32
      %dma_start3A_374 = arith.constant 0 : i32
      %dma_start3A_375 = tpu.memref_slice %arg4[%add3A, %add3A_360, %dma_start3A_373, %dma_start3A_374] : memref<32x50x128x64xf32, #tpu.memory_space<hbm>> -> memref<1x1x128x64xf32, #tpu.memory_space<hbm>>
      %dma_start3A_376 = tpu.memref_squeeze %dma_start3A_375 : memref<1x1x128x64xf32, #tpu.memory_space<hbm>> -> memref<128x64xf32, #tpu.memory_space<hbm>>
      %dma_start3A_377 = arith.constant 0 : i32
      %dma_start3A_378 = arith.constant 0 : i32
      %dma_start3A_379 = tpu.memref_slice %arg6[%dma_start3A_361, %dma_start3A_377, %dma_start3A_378] : memref<5x128x64xf32, #tpu.memory_space<vmem>> -> memref<1x128x64xf32, #tpu.memory_space<vmem>>
      %dma_start3A_380 = tpu.memref_squeeze %dma_start3A_379 : memref<1x128x64xf32, #tpu.memory_space<vmem>> -> memref<128x64xf32, #tpu.memory_space<vmem>>
      tpu.enqueue_dma source(%dma_start3A_380 : memref<128x64xf32, #tpu.memory_space<vmem>>) target(%dma_start3A_376 : memref<128x64xf32, #tpu.memory_space<hbm>>) target_semaphore(%dma_start3A_372 : memref<!tpu.dma_semaphore, #tpu.memory_space<semaphore_mem>>)
      %dma_wait3A_381 = arith.constant 0 : i32
      %dma_wait3A_382 = arith.constant 4 : i32
      %dma_wait3A_383 = arith.constant 4 : i32
      %dma_wait3A_384 = arith.constant 0 : i32
      %dma_wait3A_385 = arith.constant 0 : i32
      %dma_wait3A_386 = tpu.memref_slice %arg6[%dma_wait3A_382, %dma_wait3A_384, %dma_wait3A_385] : memref<5x128x64xf32, #tpu.memory_space<vmem>> -> memref<1x128x64xf32, #tpu.memory_space<vmem>>
      %dma_wait3A_387 = tpu.memref_squeeze %dma_wait3A_386 : memref<1x128x64xf32, #tpu.memory_space<vmem>> -> memref<128x64xf32, #tpu.memory_space<vmem>>
      %dma_wait3A_388 = arith.constant 0 : i32
      %dma_wait3A_389 = tpu.memref_slice %arg5[%dma_wait3A_381, %dma_wait3A_388] : memref<50x128xi32, #tpu.memory_space<vmem>> -> memref<1x128xi32, #tpu.memory_space<vmem>>
      %dma_wait3A_390 = tpu.memref_squeeze %dma_wait3A_389 : memref<1x128xi32, #tpu.memory_space<vmem>> -> memref<128xi32, #tpu.memory_space<vmem>>
      %dma_wait3A_391 = arith.constant 0 : i32
      %dma_wait3A_392 = arith.constant 0 : i32
      %dma_wait3A_393 = tpu.memref_slice %arg3[%dma_wait3A_391, %dma_wait3A_392] : memref<1000000x64xf32, #tpu.memory_space<hbm>> -> memref<1000000x64xf32, #tpu.memory_space<hbm>>
      %dma_wait3A_394 = tpu.memref_slice %arg7[%dma_wait3A_383] : memref<5x!tpu.dma_semaphore, #tpu.memory_space<semaphore_mem>> -> memref<1x!tpu.dma_semaphore, #tpu.memory_space<semaphore_mem>>
      %dma_wait3A_395 = tpu.memref_squeeze %dma_wait3A_394 : memref<1x!tpu.dma_semaphore, #tpu.memory_space<semaphore_mem>> -> memref<!tpu.dma_semaphore, #tpu.memory_space<semaphore_mem>>
      tpu.wait_indirect_dma semaphore(%dma_wait3A_395 : memref<!tpu.dma_semaphore, #tpu.memory_space<semaphore_mem>>) src(%dma_wait3A_393 : memref<1000000x64xf32, #tpu.memory_space<hbm>>) dst(%dma_wait3A_387 : memref<128x64xf32, #tpu.memory_space<vmem>>)
      %mul3A_396 = arith.constant 5 : i32
      %mul3A_397 = arith.muli %add3A_113, %mul3A_396 : i32
      %add3A_398 = arith.constant 4 : i32
      %add3A_399 = arith.addi %mul3A_397, %add3A_398 : i32
      %dma_start3A_400 = arith.constant 4 : i32
      %dma_start3A_401 = arith.constant 4 : i32
      %dma_start3A_402 = arith.constant 0 : i32
      %dma_start3A_403 = arith.constant 0 : i32
      %dma_start3A_404 = tpu.memref_slice %arg6[%dma_start3A_400, %dma_start3A_402, %dma_start3A_403] : memref<5x128x64xf32, #tpu.memory_space<vmem>> -> memref<1x128x64xf32, #tpu.memory_space<vmem>>
      %dma_start3A_405 = tpu.memref_squeeze %dma_start3A_404 : memref<1x128x64xf32, #tpu.memory_space<vmem>> -> memref<128x64xf32, #tpu.memory_space<vmem>>
      %dma_start3A_406 = arith.constant 0 : i32
      %dma_start3A_407 = arith.constant 0 : i32
      %dma_start3A_408 = tpu.memref_slice %arg4[%add3A, %add3A_399, %dma_start3A_406, %dma_start3A_407] : memref<32x50x128x64xf32, #tpu.memory_space<hbm>> -> memref<1x1x128x64xf32, #tpu.memory_space<hbm>>
      %dma_start3A_409 = tpu.memref_squeeze %dma_start3A_408 : memref<1x1x128x64xf32, #tpu.memory_space<hbm>> -> memref<128x64xf32, #tpu.memory_space<hbm>>
      %dma_start3A_410 = tpu.memref_slice %arg8[%dma_start3A_401] : memref<5x!tpu.dma_semaphore, #tpu.memory_space<semaphore_mem>> -> memref<1x!tpu.dma_semaphore, #tpu.memory_space<semaphore_mem>>
      %dma_start3A_411 = tpu.memref_squeeze %dma_start3A_410 : memref<1x!tpu.dma_semaphore, #tpu.memory_space<semaphore_mem>> -> memref<!tpu.dma_semaphore, #tpu.memory_space<semaphore_mem>>
      %dma_start3A_412 = arith.constant 0 : i32
      %dma_start3A_413 = arith.constant 0 : i32
      %dma_start3A_414 = tpu.memref_slice %arg4[%add3A, %add3A_399, %dma_start3A_412, %dma_start3A_413] : memref<32x50x128x64xf32, #tpu.memory_space<hbm>> -> memref<1x1x128x64xf32, #tpu.memory_space<hbm>>
      %dma_start3A_415 = tpu.memref_squeeze %dma_start3A_414 : memref<1x1x128x64xf32, #tpu.memory_space<hbm>> -> memref<128x64xf32, #tpu.memory_space<hbm>>
      %dma_start3A_416 = arith.constant 0 : i32
      %dma_start3A_417 = arith.constant 0 : i32
      %dma_start3A_418 = tpu.memref_slice %arg6[%dma_start3A_400, %dma_start3A_416, %dma_start3A_417] : memref<5x128x64xf32, #tpu.memory_space<vmem>> -> memref<1x128x64xf32, #tpu.memory_space<vmem>>
      %dma_start3A_419 = tpu.memref_squeeze %dma_start3A_418 : memref<1x128x64xf32, #tpu.memory_space<vmem>> -> memref<128x64xf32, #tpu.memory_space<vmem>>
      tpu.enqueue_dma source(%dma_start3A_419 : memref<128x64xf32, #tpu.memory_space<vmem>>) target(%dma_start3A_415 : memref<128x64xf32, #tpu.memory_space<hbm>>) target_semaphore(%dma_start3A_411 : memref<!tpu.dma_semaphore, #tpu.memory_space<semaphore_mem>>)
    }
    %scan3A_4 = arith.constant 10 : i32
    %dma_wait3A = arith.constant 0 : i32
    %dma_wait3A_5 = arith.constant 0 : i32
    %dma_wait3A_6 = arith.constant 0 : i32
    %dma_wait3A_7 = arith.constant 0 : i32
    %dma_wait3A_8 = arith.constant 0 : i32
    %dma_wait3A_9 = tpu.memref_slice %arg6[%dma_wait3A, %dma_wait3A_7, %dma_wait3A_8] : memref<5x128x64xf32, #tpu.memory_space<vmem>> -> memref<1x128x64xf32, #tpu.memory_space<vmem>>
    %dma_wait3A_10 = tpu.memref_squeeze %dma_wait3A_9 : memref<1x128x64xf32, #tpu.memory_space<vmem>> -> memref<128x64xf32, #tpu.memory_space<vmem>>
    %dma_wait3A_11 = arith.constant 0 : i32
    %dma_wait3A_12 = arith.constant 0 : i32
    %dma_wait3A_13 = tpu.memref_slice %arg4[%add3A, %dma_wait3A_5, %dma_wait3A_11, %dma_wait3A_12] : memref<32x50x128x64xf32, #tpu.memory_space<hbm>> -> memref<1x1x128x64xf32, #tpu.memory_space<hbm>>
    %dma_wait3A_14 = tpu.memref_squeeze %dma_wait3A_13 : memref<1x1x128x64xf32, #tpu.memory_space<hbm>> -> memref<128x64xf32, #tpu.memory_space<hbm>>
    %dma_wait3A_15 = tpu.memref_slice %arg8[%dma_wait3A_6] : memref<5x!tpu.dma_semaphore, #tpu.memory_space<semaphore_mem>> -> memref<1x!tpu.dma_semaphore, #tpu.memory_space<semaphore_mem>>
    %dma_wait3A_16 = tpu.memref_squeeze %dma_wait3A_15 : memref<1x!tpu.dma_semaphore, #tpu.memory_space<semaphore_mem>> -> memref<!tpu.dma_semaphore, #tpu.memory_space<semaphore_mem>>
    %dma_wait3A_17 = arith.constant 0 : i32
    %dma_wait3A_18 = arith.constant 0 : i32
    %dma_wait3A_19 = tpu.memref_slice %arg4[%add3A, %dma_wait3A_5, %dma_wait3A_17, %dma_wait3A_18] : memref<32x50x128x64xf32, #tpu.memory_space<hbm>> -> memref<1x1x128x64xf32, #tpu.memory_space<hbm>>
    %dma_wait3A_20 = tpu.memref_squeeze %dma_wait3A_19 : memref<1x1x128x64xf32, #tpu.memory_space<hbm>> -> memref<128x64xf32, #tpu.memory_space<hbm>>
    %dma_wait3A_21 = arith.constant 0 : i32
    %dma_wait3A_22 = arith.constant 0 : i32
    %dma_wait3A_23 = tpu.memref_slice %arg6[%dma_wait3A, %dma_wait3A_21, %dma_wait3A_22] : memref<5x128x64xf32, #tpu.memory_space<vmem>> -> memref<1x128x64xf32, #tpu.memory_space<vmem>>
    %dma_wait3A_24 = tpu.memref_squeeze %dma_wait3A_23 : memref<1x128x64xf32, #tpu.memory_space<vmem>> -> memref<128x64xf32, #tpu.memory_space<vmem>>
    tpu.wait_dma2 semaphore(%dma_wait3A_16 : memref<!tpu.dma_semaphore, #tpu.memory_space<semaphore_mem>>) src(%dma_wait3A_24 : memref<128x64xf32, #tpu.memory_space<vmem>>) dst(%dma_wait3A_20 : memref<128x64xf32, #tpu.memory_space<hbm>>)
    %dma_wait3A_25 = arith.constant 1 : i32
    %dma_wait3A_26 = arith.constant 0 : i32
    %dma_wait3A_27 = arith.constant 1 : i32
    %dma_wait3A_28 = arith.constant 0 : i32
    %dma_wait3A_29 = arith.constant 0 : i32
    %dma_wait3A_30 = tpu.memref_slice %arg6[%dma_wait3A_25, %dma_wait3A_28, %dma_wait3A_29] : memref<5x128x64xf32, #tpu.memory_space<vmem>> -> memref<1x128x64xf32, #tpu.memory_space<vmem>>
    %dma_wait3A_31 = tpu.memref_squeeze %dma_wait3A_30 : memref<1x128x64xf32, #tpu.memory_space<vmem>> -> memref<128x64xf32, #tpu.memory_space<vmem>>
    %dma_wait3A_32 = arith.constant 0 : i32
    %dma_wait3A_33 = arith.constant 0 : i32
    %dma_wait3A_34 = tpu.memref_slice %arg4[%add3A, %dma_wait3A_26, %dma_wait3A_32, %dma_wait3A_33] : memref<32x50x128x64xf32, #tpu.memory_space<hbm>> -> memref<1x1x128x64xf32, #tpu.memory_space<hbm>>
    %dma_wait3A_35 = tpu.memref_squeeze %dma_wait3A_34 : memref<1x1x128x64xf32, #tpu.memory_space<hbm>> -> memref<128x64xf32, #tpu.memory_space<hbm>>
    %dma_wait3A_36 = tpu.memref_slice %arg8[%dma_wait3A_27] : memref<5x!tpu.dma_semaphore, #tpu.memory_space<semaphore_mem>> -> memref<1x!tpu.dma_semaphore, #tpu.memory_space<semaphore_mem>>
    %dma_wait3A_37 = tpu.memref_squeeze %dma_wait3A_36 : memref<1x!tpu.dma_semaphore, #tpu.memory_space<semaphore_mem>> -> memref<!tpu.dma_semaphore, #tpu.memory_space<semaphore_mem>>
    %dma_wait3A_38 = arith.constant 0 : i32
    %dma_wait3A_39 = arith.constant 0 : i32
    %dma_wait3A_40 = tpu.memref_slice %arg4[%add3A, %dma_wait3A_26, %dma_wait3A_38, %dma_wait3A_39] : memref<32x50x128x64xf32, #tpu.memory_space<hbm>> -> memref<1x1x128x64xf32, #tpu.memory_space<hbm>>
    %dma_wait3A_41 = tpu.memref_squeeze %dma_wait3A_40 : memref<1x1x128x64xf32, #tpu.memory_space<hbm>> -> memref<128x64xf32, #tpu.memory_space<hbm>>
    %dma_wait3A_42 = arith.constant 0 : i32
    %dma_wait3A_43 = arith.constant 0 : i32
    %dma_wait3A_44 = tpu.memref_slice %arg6[%dma_wait3A_25, %dma_wait3A_42, %dma_wait3A_43] : memref<5x128x64xf32, #tpu.memory_space<vmem>> -> memref<1x128x64xf32, #tpu.memory_space<vmem>>
    %dma_wait3A_45 = tpu.memref_squeeze %dma_wait3A_44 : memref<1x128x64xf32, #tpu.memory_space<vmem>> -> memref<128x64xf32, #tpu.memory_space<vmem>>
    tpu.wait_dma2 semaphore(%dma_wait3A_37 : memref<!tpu.dma_semaphore, #tpu.memory_space<semaphore_mem>>) src(%dma_wait3A_45 : memref<128x64xf32, #tpu.memory_space<vmem>>) dst(%dma_wait3A_41 : memref<128x64xf32, #tpu.memory_space<hbm>>)
    %dma_wait3A_46 = arith.constant 2 : i32
    %dma_wait3A_47 = arith.constant 0 : i32
    %dma_wait3A_48 = arith.constant 2 : i32
    %dma_wait3A_49 = arith.constant 0 : i32
    %dma_wait3A_50 = arith.constant 0 : i32
    %dma_wait3A_51 = tpu.memref_slice %arg6[%dma_wait3A_46, %dma_wait3A_49, %dma_wait3A_50] : memref<5x128x64xf32, #tpu.memory_space<vmem>> -> memref<1x128x64xf32, #tpu.memory_space<vmem>>
    %dma_wait3A_52 = tpu.memref_squeeze %dma_wait3A_51 : memref<1x128x64xf32, #tpu.memory_space<vmem>> -> memref<128x64xf32, #tpu.memory_space<vmem>>
    %dma_wait3A_53 = arith.constant 0 : i32
    %dma_wait3A_54 = arith.constant 0 : i32
    %dma_wait3A_55 = tpu.memref_slice %arg4[%add3A, %dma_wait3A_47, %dma_wait3A_53, %dma_wait3A_54] : memref<32x50x128x64xf32, #tpu.memory_space<hbm>> -> memref<1x1x128x64xf32, #tpu.memory_space<hbm>>
    %dma_wait3A_56 = tpu.memref_squeeze %dma_wait3A_55 : memref<1x1x128x64xf32, #tpu.memory_space<hbm>> -> memref<128x64xf32, #tpu.memory_space<hbm>>
    %dma_wait3A_57 = tpu.memref_slice %arg8[%dma_wait3A_48] : memref<5x!tpu.dma_semaphore, #tpu.memory_space<semaphore_mem>> -> memref<1x!tpu.dma_semaphore, #tpu.memory_space<semaphore_mem>>
    %dma_wait3A_58 = tpu.memref_squeeze %dma_wait3A_57 : memref<1x!tpu.dma_semaphore, #tpu.memory_space<semaphore_mem>> -> memref<!tpu.dma_semaphore, #tpu.memory_space<semaphore_mem>>
    %dma_wait3A_59 = arith.constant 0 : i32
    %dma_wait3A_60 = arith.constant 0 : i32
    %dma_wait3A_61 = tpu.memref_slice %arg4[%add3A, %dma_wait3A_47, %dma_wait3A_59, %dma_wait3A_60] : memref<32x50x128x64xf32, #tpu.memory_space<hbm>> -> memref<1x1x128x64xf32, #tpu.memory_space<hbm>>
    %dma_wait3A_62 = tpu.memref_squeeze %dma_wait3A_61 : memref<1x1x128x64xf32, #tpu.memory_space<hbm>> -> memref<128x64xf32, #tpu.memory_space<hbm>>
    %dma_wait3A_63 = arith.constant 0 : i32
    %dma_wait3A_64 = arith.constant 0 : i32
    %dma_wait3A_65 = tpu.memref_slice %arg6[%dma_wait3A_46, %dma_wait3A_63, %dma_wait3A_64] : memref<5x128x64xf32, #tpu.memory_space<vmem>> -> memref<1x128x64xf32, #tpu.memory_space<vmem>>
    %dma_wait3A_66 = tpu.memref_squeeze %dma_wait3A_65 : memref<1x128x64xf32, #tpu.memory_space<vmem>> -> memref<128x64xf32, #tpu.memory_space<vmem>>
    tpu.wait_dma2 semaphore(%dma_wait3A_58 : memref<!tpu.dma_semaphore, #tpu.memory_space<semaphore_mem>>) src(%dma_wait3A_66 : memref<128x64xf32, #tpu.memory_space<vmem>>) dst(%dma_wait3A_62 : memref<128x64xf32, #tpu.memory_space<hbm>>)
    %dma_wait3A_67 = arith.constant 3 : i32
    %dma_wait3A_68 = arith.constant 0 : i32
    %dma_wait3A_69 = arith.constant 3 : i32
    %dma_wait3A_70 = arith.constant 0 : i32
    %dma_wait3A_71 = arith.constant 0 : i32
    %dma_wait3A_72 = tpu.memref_slice %arg6[%dma_wait3A_67, %dma_wait3A_70, %dma_wait3A_71] : memref<5x128x64xf32, #tpu.memory_space<vmem>> -> memref<1x128x64xf32, #tpu.memory_space<vmem>>
    %dma_wait3A_73 = tpu.memref_squeeze %dma_wait3A_72 : memref<1x128x64xf32, #tpu.memory_space<vmem>> -> memref<128x64xf32, #tpu.memory_space<vmem>>
    %dma_wait3A_74 = arith.constant 0 : i32
    %dma_wait3A_75 = arith.constant 0 : i32
    %dma_wait3A_76 = tpu.memref_slice %arg4[%add3A, %dma_wait3A_68, %dma_wait3A_74, %dma_wait3A_75] : memref<32x50x128x64xf32, #tpu.memory_space<hbm>> -> memref<1x1x128x64xf32, #tpu.memory_space<hbm>>
    %dma_wait3A_77 = tpu.memref_squeeze %dma_wait3A_76 : memref<1x1x128x64xf32, #tpu.memory_space<hbm>> -> memref<128x64xf32, #tpu.memory_space<hbm>>
    %dma_wait3A_78 = tpu.memref_slice %arg8[%dma_wait3A_69] : memref<5x!tpu.dma_semaphore, #tpu.memory_space<semaphore_mem>> -> memref<1x!tpu.dma_semaphore, #tpu.memory_space<semaphore_mem>>
    %dma_wait3A_79 = tpu.memref_squeeze %dma_wait3A_78 : memref<1x!tpu.dma_semaphore, #tpu.memory_space<semaphore_mem>> -> memref<!tpu.dma_semaphore, #tpu.memory_space<semaphore_mem>>
    %dma_wait3A_80 = arith.constant 0 : i32
    %dma_wait3A_81 = arith.constant 0 : i32
    %dma_wait3A_82 = tpu.memref_slice %arg4[%add3A, %dma_wait3A_68, %dma_wait3A_80, %dma_wait3A_81] : memref<32x50x128x64xf32, #tpu.memory_space<hbm>> -> memref<1x1x128x64xf32, #tpu.memory_space<hbm>>
    %dma_wait3A_83 = tpu.memref_squeeze %dma_wait3A_82 : memref<1x1x128x64xf32, #tpu.memory_space<hbm>> -> memref<128x64xf32, #tpu.memory_space<hbm>>
    %dma_wait3A_84 = arith.constant 0 : i32
    %dma_wait3A_85 = arith.constant 0 : i32
    %dma_wait3A_86 = tpu.memref_slice %arg6[%dma_wait3A_67, %dma_wait3A_84, %dma_wait3A_85] : memref<5x128x64xf32, #tpu.memory_space<vmem>> -> memref<1x128x64xf32, #tpu.memory_space<vmem>>
    %dma_wait3A_87 = tpu.memref_squeeze %dma_wait3A_86 : memref<1x128x64xf32, #tpu.memory_space<vmem>> -> memref<128x64xf32, #tpu.memory_space<vmem>>
    tpu.wait_dma2 semaphore(%dma_wait3A_79 : memref<!tpu.dma_semaphore, #tpu.memory_space<semaphore_mem>>) src(%dma_wait3A_87 : memref<128x64xf32, #tpu.memory_space<vmem>>) dst(%dma_wait3A_83 : memref<128x64xf32, #tpu.memory_space<hbm>>)
    %dma_wait3A_88 = arith.constant 4 : i32
    %dma_wait3A_89 = arith.constant 0 : i32
    %dma_wait3A_90 = arith.constant 4 : i32
    %dma_wait3A_91 = arith.constant 0 : i32
    %dma_wait3A_92 = arith.constant 0 : i32
    %dma_wait3A_93 = tpu.memref_slice %arg6[%dma_wait3A_88, %dma_wait3A_91, %dma_wait3A_92] : memref<5x128x64xf32, #tpu.memory_space<vmem>> -> memref<1x128x64xf32, #tpu.memory_space<vmem>>
    %dma_wait3A_94 = tpu.memref_squeeze %dma_wait3A_93 : memref<1x128x64xf32, #tpu.memory_space<vmem>> -> memref<128x64xf32, #tpu.memory_space<vmem>>
    %dma_wait3A_95 = arith.constant 0 : i32
    %dma_wait3A_96 = arith.constant 0 : i32
    %dma_wait3A_97 = tpu.memref_slice %arg4[%add3A, %dma_wait3A_89, %dma_wait3A_95, %dma_wait3A_96] : memref<32x50x128x64xf32, #tpu.memory_space<hbm>> -> memref<1x1x128x64xf32, #tpu.memory_space<hbm>>
    %dma_wait3A_98 = tpu.memref_squeeze %dma_wait3A_97 : memref<1x1x128x64xf32, #tpu.memory_space<hbm>> -> memref<128x64xf32, #tpu.memory_space<hbm>>
    %dma_wait3A_99 = tpu.memref_slice %arg8[%dma_wait3A_90] : memref<5x!tpu.dma_semaphore, #tpu.memory_space<semaphore_mem>> -> memref<1x!tpu.dma_semaphore, #tpu.memory_space<semaphore_mem>>
    %dma_wait3A_100 = tpu.memref_squeeze %dma_wait3A_99 : memref<1x!tpu.dma_semaphore, #tpu.memory_space<semaphore_mem>> -> memref<!tpu.dma_semaphore, #tpu.memory_space<semaphore_mem>>
    %dma_wait3A_101 = arith.constant 0 : i32
    %dma_wait3A_102 = arith.constant 0 : i32
    %dma_wait3A_103 = tpu.memref_slice %arg4[%add3A, %dma_wait3A_89, %dma_wait3A_101, %dma_wait3A_102] : memref<32x50x128x64xf32, #tpu.memory_space<hbm>> -> memref<1x1x128x64xf32, #tpu.memory_space<hbm>>
    %dma_wait3A_104 = tpu.memref_squeeze %dma_wait3A_103 : memref<1x1x128x64xf32, #tpu.memory_space<hbm>> -> memref<128x64xf32, #tpu.memory_space<hbm>>
    %dma_wait3A_105 = arith.constant 0 : i32
    %dma_wait3A_106 = arith.constant 0 : i32
    %dma_wait3A_107 = tpu.memref_slice %arg6[%dma_wait3A_88, %dma_wait3A_105, %dma_wait3A_106] : memref<5x128x64xf32, #tpu.memory_space<vmem>> -> memref<1x128x64xf32, #tpu.memory_space<vmem>>
    %dma_wait3A_108 = tpu.memref_squeeze %dma_wait3A_107 : memref<1x128x64xf32, #tpu.memory_space<vmem>> -> memref<128x64xf32, #tpu.memory_space<vmem>>
    tpu.wait_dma2 semaphore(%dma_wait3A_100 : memref<!tpu.dma_semaphore, #tpu.memory_space<semaphore_mem>>) src(%dma_wait3A_108 : memref<128x64xf32, #tpu.memory_space<vmem>>) dst(%dma_wait3A_104 : memref<128x64xf32, #tpu.memory_space<hbm>>)
    return
  }
}

</mosaic_0001>

<sc_bundles>
// kernel: kernel.3.cloned.1.call-start
scs
__scs_entry_jumppad:
0x0: {  	(pc) =	sbr.rel $0x88, $3  }
0x1: {  	(tag) =	ssettag $0x0;
	lr =	simm.s32 $0x1  }
0x2: {  	[smem:$0x3F9F] =	sst lr;
	_ =	strace $0xD0000000  }
0x3: {  	_ = 	snop  }
0x4: {  	_ = 	snop  }
0x5: {  	_ = 	snop  }
0x6: {  	_ = 	snop  }
0x7: {  	_ = 	snop  }
__scs_overlays_trampoline_lowered:
0x8: {  	[smem:$0x3FAE] =	sst s0  }
0x9: {  	[smem:$0x3FAF] =	sst s1  }
0xa: {  	[smem:$0x3FB0] =	sst s2  }
0xb: {  	[smem:$0x3FB1] =	sst s3  }
0xc: {  	[smem:$0x3FB2] =	sst s4  }
0xd: {  	[smem:$0x3FB3] =	sst s5  }
0xe: {  	[smem:$0x3FB4] =	sst s6  }
0xf: {  	[smem:$0x3FB5] =	sst s7  }
0x10: {  	[smem:$0x3FB6] =	sst s8  }
0x11: {  	[smem:$0x3FB7] =	sst s9;
	s0 =	simm.s32 @!p0 $0x0  }
0x12: {  	s1 =	sld [smem:$0x3F9D];
	s0 =	simm.s32 @p0 $0x1  }
0x13: {  	[smem:$0x3FB8] =	sst s0;
	s0 =	simm.s32 @!p1 $0x0  }
0x14: {  	s2 =	sld [smem:$0x3F9C];
	s0 =	simm.s32 @p1 $0x1  }
0x15: {  	[smem:$0x3FB9] =	sst s0;
	s0 =	simm.s32 @!p2 $0x0  }
0x16: {  	s3 =	sld [smem:$0x3FDB];
	s0 =	simm.s32 @p2 $0x1  }
0x17: {  	s4 =	simm.s32 $0x1BF5;
	[smem:$0x3FBB] =	sst s0  }
0x18: {  	s0 =	sld [smem:$0x3F9E];
	_ =	swait.ge [sflag:s4], $0x0  }
0x19: {  	s7 =	sld [smem:$0x3F9F]  }
0x1a: {  	s8 =	sadd.s32 $0xFFFFE003, lr  }
0x1b: {  	s9 =	sadd.s32 $0xFFFFFEF7, lr;
	s5 =	simm.s32 $0xFFFFFFFF;
	p2 =	slt.u32 s8, $0xFFFFF086  }
0x1c: {  	p1 =	slt.u32 s9, $0xF7A;
	s5 =	simm.s32 @!p2 $0x0  }
0x1d: {  	s5 =	simm.s32 @p1 $0x1;
	p0 =	seq.s32 s7, s2  }
0x1e: {  	s7 =	smul.u32 @!p0 $0xF7A, s2;
	p2 =	seq.s32 @!p0 s5, $0x0  }
0x1f: {  	s9 =	smul.u32 $0xF7A, s1;
	s8 =	simm.s32 @!p0 $0x1BF5;
	p2 =	por !p2, p0  }
0x20: {  	[sflag:s8] =	ssyncset.s32 @!p0 $0xFFFFF086;
	s6 =	sadd.s32 @!p0 s3, s7;
	s7 =	simm.s32 @!p0 $0x108  }
0x21: {  	s3 =	sadd.s32 s3, s9;
	s6 =	sadd.s32 @!p0 $0x88, s6;
	s7 =	simm.s32 @p2 $0x1082  }
0x22: {  	[simem:s7], [sflag:s8] =	dma.local @!p0 [hbm:s6], $0xF7A  }
0x23: {  	s9 =	sor.u32 $0xD0000000, s2;
	s6 =	simm.s32 $0x108;
	_ =	swait.ge @!p0 [sflag:s8], $0x0  }
0x24: {  	s3 =	sadd.s32 $0x88, s3;
	s6 =	simm.s32 @!p1 $0x1082;
	[sflag:s4] =	ssyncset.s32 $0xFFFFF086  }
0x25: {  	[simem:s6], [sflag:s4] =	dma.local [hbm:s3], $0xF7A  }
0x26: {  	[smem:$0x3F9F] =	sst s1;
	(tag) =	ssettag s2;
	_ =	strace s9  }
0x27: {  	s1 =	sld [smem:$0x3FAF]  }
0x28: {  	s2 =	sld [smem:$0x3FB0]  }
0x29: {  	s4 =	sld [smem:$0x3FB2]  }
0x2a: {  	p0 =	seq.s32 s5, $0x0;
	s5 =	sld [smem:$0x3FB3]  }
0x2b: {  	s6 =	sld [smem:$0x3FB4]  }
0x2c: {  	s7 =	sld [smem:$0x3FB5]  }
0x2d: {  	s3 =	simm.s32 $0x108;
	s8 =	sld [smem:$0x3FB6]  }
0x2e: {  	s3 =	simm.s32 @!p0 $0x1082;
	s9 =	sld [smem:$0x3FB7]  }
0x2f: {  	lr =	sadd.s32 s0, s3;
	s0 =	sld [smem:$0x3FAE]  }
0x30: {  	s3 =	sld [smem:$0x3FB1]  }
0x31: {  	[smem:$0x3FBA] =	sst s10  }
0x32: {  	s10 =	sld [smem:$0x3FB8];
	_ =	sdelay $0x3  }
0x33: {  	p0 =	seq.s32 s10, $0x1;
	s10 =	sld [smem:$0x3FBA];
	_ =	sdelay $0x3  }
0x34: {  	[smem:$0x3FBA] =	sst s10  }
0x35: {  	s10 =	sld [smem:$0x3FB9];
	_ =	sdelay $0x3  }
0x36: {  	p1 =	seq.s32 s10, $0x1;
	s10 =	sld [smem:$0x3FBA];
	_ =	sdelay $0x3  }
0x37: {  	[smem:$0x3FBA] =	sst s10  }
0x38: {  	s10 =	sld [smem:$0x3FBB]  }
0x39: {  	_ = 	snop;
	(pc) =	sbr.ind lr, $3  }
0x3a: {  	_ = 	snop  }
0x3b: {  	_ = 	snop  }
0x3c: {  	p2 =	seq.s32 s10, $0x1;
	s10 =	sld [smem:$0x3FBA]  }
0x3d: {  	_ =	shalt  }
0x3e: {  	_ =	shalt  }
0x3f: {  	_ =	shalt  }
0x40: {  	_ =	shalt  }
0x41: {  	_ =	shalt  }
0x42: {  	_ =	shalt  }
0x43: {  	_ =	shalt  }
0x44: {  	_ =	shalt  }
0x45: {  	_ =	shalt  }
0x46: {  	_ =	shalt  }
0x47: {  	_ =	shalt  }
0x48: {  	_ =	shalt  }
0x49: {  	_ =	shalt  }
0x4a: {  	_ =	shalt  }
0x4b: {  	_ =	shalt  }
0x4c: {  	_ =	shalt  }
0x4d: {  	_ =	shalt  }
0x4e: {  	_ =	shalt  }
0x4f: {  	_ =	shalt  }
0x50: {  	_ =	shalt  }
0x51: {  	_ =	shalt  }
0x52: {  	_ =	shalt  }
0x53: {  	_ =	shalt  }
0x54: {  	_ =	shalt  }
0x55: {  	_ =	shalt  }
0x56: {  	_ =	shalt  }
0x57: {  	_ =	shalt  }
0x58: {  	_ =	shalt  }
0x59: {  	_ =	shalt  }
0x5a: {  	_ =	shalt  }
0x5b: {  	_ =	shalt  }
0x5c: {  	_ =	shalt  }
0x5d: {  	_ =	shalt  }
0x5e: {  	_ =	shalt  }
0x5f: {  	_ =	shalt  }
0x60: {  	_ =	shalt  }
0x61: {  	_ =	shalt  }
0x62: {  	_ =	shalt  }
0x63: {  	_ =	shalt  }
0x64: {  	_ =	shalt  }
0x65: {  	_ =	shalt  }
0x66: {  	_ =	shalt  }
0x67: {  	_ =	shalt  }
0x68: {  	_ =	shalt  }
0x69: {  	_ =	shalt  }
0x6a: {  	_ =	shalt  }
0x6b: {  	_ =	shalt  }
0x6c: {  	_ =	shalt  }
0x6d: {  	_ =	shalt  }
0x6e: {  	_ =	shalt  }
0x6f: {  	_ =	shalt  }
0x70: {  	_ =	shalt  }
0x71: {  	_ =	shalt  }
0x72: {  	_ =	shalt  }
0x73: {  	_ =	shalt  }
0x74: {  	_ =	shalt  }
0x75: {  	_ =	shalt  }
0x76: {  	_ =	shalt  }
0x77: {  	_ =	shalt  }
0x78: {  	_ =	shalt  }
0x79: {  	_ =	shalt  }
0x7a: {  	_ =	shalt  }
0x7b: {  	_ =	shalt  }
0x7c: {  	_ =	shalt  }
0x7d: {  	_ =	shalt  }
0x7e: {  	_ =	shalt  }
0x7f: {  	_ =	shalt  }
0x80: {  	_ =	shalt  }
0x81: {  	_ =	shalt  }
0x82: {  	_ =	shalt  }
0x83: {  	_ =	shalt  }
0x84: {  	_ =	shalt  }
0x85: {  	_ =	shalt  }
0x86: {  	_ =	shalt  }
0x87: {  	_ =	shalt  }
.Lfunc_end0:
.L_simem_size_0:
called_computation.1_lowered:
.L_overlay_start_0:
0x88: {  	s2 =	sld [smem:$0x3FD9]  }
0x89: {  	s3 =	sld [smem:$0x3FFE];
	_ =	sdelay $0x1  }
0x8a: {  	s1 =	srdreg.scid  }
0x8b: {  	s0 =	sand.u32 $0x1, s1  }
0x8c: {  	s17 =	sshll.u32 s0, $0xA;
	s2 =	sadd.s32 s3, s2  }
0x8d: {  	s2 =	sadd.s32 s2, s17  }
0x8e: {  	[smem:$0x3FC6] =	sst s2  }
0x8f: {  	_ = 	snop  }
0x90: {  	s2 =	sld [smem:$0x3FD0];
	(tm) =	ssettm $0x1  }
0x91: {  	s18 =	sld [smem:$0x3FFB];
	_ =	sdelay $0x3  }
0x92: {  	_ =	strace s18  }
0x93: {  	s3 =	sld [smem:$0x3FFC];
	_ =	sdelay $0x3  }
0x94: {  	_ =	strace s3  }
0x95: {  	s3 =	sld [smem:$0x3FFD];
	_ =	sdelay $0x3  }
0x96: {  	_ =	strace s3  }
0x97: {  	_ =	strace $0x8FFFFFFF  }
0x98: {  	s19 =	sld [smem:$0x3FDB];
	_ =	sdelay $0x1  }
0x99: {  	s4 =	simm.s32 $_scs_section_size  }
0x9a: {  	s5 =	simm.s32 $_size__tile_overlayer_lowered;
	s6 =	simm.s32 $_tile_overlayer_lowered  }
0x9b: {  	s22 =	simm.s32 $0x1BFF;
	s21 =	sshll.u32 s6, $0x1;
	s3 =	sadd.s32 s4, s19  }
0x9c: {  	s7 =	simm.s32 $0x0;
	s20 =	sshll.u32 s5, $0x1;
	s5 =	sadd.s32 s21, s3  }
0x9d: {  	[timem:s7], [sflag:s22] =	dma.local [hbm:s5], s20  }
0x9e: {  	_ =	swait.ge [sflag:s22], s20  }
0x9f: {  	s4 =	ssub.s32 $0x0, s20;
	[sflag:s22] =	ssyncset.done $0x0  }
0xa0: {  	[sflag:s22] =	ssyncadd.s32 s4;
	_ =	sdelay $0x1  }
0xa1: {  	s23 =	simm.s32 $0x1B8B  }
0xa2: {  	_ =	swait.ge [sflag:s23], $0x1  }
0xa3: {  	[sflag:s23] =	ssyncset.done $0x0  }
0xa4: {  	s25 =	simm.s32 $0x1B8E;
	s24 =	sld [smem:$0x3FFE];
	[sflag:s23] =	ssyncadd.s32 $0xFFFFFFFF  }
0xa5: {  	s26 =	simm.s32 $execute0_lowered;
	[smem:$0x3FD2] =	sst s25  }
0xa6: {  	s5 =	sshll.u32 s26, $0x1;
	_ =	strace $0x80000046;
	[dreg:$0x1] =	wrdreg $0xFFFFFFFF  }
0xa7: {  	s28 =	simm.s32 $_size_execute0_lowered;
	s3 =	sadd.s32 s3, s5;
	[dreg:$0x0] =	wrdreg $0x0  }
0xa8: {  	s5 =	sshll.u32 s28, $0x1;
	[dreg:$0x2] =	wrdreg s3  }
0xa9: {  	[dreg:$0x3] =	wrdreg s5  }
0xaa: {  	[dreg:$0x4] =	wrdreg $0xC0  }
0xab: {  	_ =	task [dreg:s7], $0x5FFFF  }
0xac: {  	[dreg:$0x1] =	wrdreg $0xFFFFFFFF  }
0xad: {  	[dreg:$0x0] =	wrdreg $0x60  }
0xae: {  	[dreg:$0x2] =	wrdreg s24  }
0xaf: {  	[dreg:$0x3] =	wrdreg s2  }
0xb0: {  	[dreg:$0x4] =	wrdreg $0x9  }
0xb1: {  	_ =	task.clear_ibuf [dreg:s7], $0x5FFFF;
	_ =	strace $0x90000046  }
0xb2: {  	s29 =	simm.s32 $0x9;
	_ =	strace $0x80000048  }
0xb3: {  	_ =	swait.ge [sflag:s29], $0x1  }
0xb4: {  	[sflag:s29] =	ssyncadd.s32 $0xFFFFFFFF  }
0xb5: {  	_ =	strace $0x90000048  }
0xb6: {  	_ =	sfence  }
0xb7: {  	s30 =	sld [smem:$0x0];
	_ =	sdelay $0x2  }
0xb8: {  	s31 =	sshll.u32 s1, $0xD;
	s1 =	sshrl.u32 s1, $0x2  }
0xb9: {  	s3 =	sand.u32 $0x4000, s31;
	s1 =	sadd.s32 s1, s30  }
0xba: {  	s0 =	sor.u32 s3, s0;
	s1 =	sshll.u32 s1, $0x11  }
0xbb: {  	s0 =	sor.u32 s1, s0  }
0xbc: {  	s0 =	sadd.s32 $0x8F2B, s0  }
0xbd: {  	[sflag:s0] =	ssyncadd.remote.s32 $0x1  }
0xbe: {  	_ =	sfence.sel $0xFFFF  }
0xbf: {  	[dreg:$0x0] =	wrdreg $0xFFFFFFFF;
	(pc) =	sbr.abs _section_cstart, $3  }
0xc0: {  	[dreg:$0x1] =	wrdreg $0xFFFFFFFF  }
0xc1: {  	_ =	task.clear_ibuf [dreg:s7], $0x2FFFF;
	_ =	strace $0x9FFFFFFF  }
0xc2: {  	(tm) =	ssettm $0x7FFFFFFF  }
0xc3: {  	_ =	shalt  }
tec
execute0_lowered:
.L_overlay_start_1:
0x0: {  	(tag) =	ssettag $0x1  }
0x1: {  	s1 =	srdreg.scid;
	s4 =	rddreg [dreg:$0x0]  }
0x2: {  	s0 =	stileid.u32;
	s2 =	rddreg [dreg:$0x1];
	s3 =	simm.s32 $0x0  }
0x3: {  	s31 =	simm.s32 $0x80;
	s12 =	simm.s32 $0x1900;
	s11 =	simm.s32 $0x1  }
0x4: {  	s13 =	simm.s32 $0x3900;
	s14 =	simm.s32 $0x5900;
	s15 =	simm.s32 $0x7900  }
0x5: {  	s16 =	simm.s32 $0x6;
	s17 =	simm.s32 $0x7;
	s18 =	simm.s32 $0x8  }
0x6: {  	s19 =	simm.s32 $0x9;
	s20 =	simm.s32 $0xA;
	s21 =	simm.s32 $0x0  }
0x7: {  	s5 =	sand.u32 $0x1, s1;
	s28 =	sshll.u32 s0, $0x1;
	[smem:$0x7FF] =	sst s3  }
0x8: {  	s8 =	smul.u32 $0xC8000, s0;
	_ =	strace $0x80000047;
	[dreg:$0x3] =	wrdreg s31  }
0x9: {  	s6 =	sor.u32 s5, s28;
	s9 =	ssub.s32 $0x2, s5;
	[dreg:$0x4] =	wrdreg s12  }
0xa: {  	s10 =	smul.u32 $0x64000, s5;
	s12 =	simm.s32 $0x2;
	[dreg:$0x5] =	wrdreg s13  }
0xb: {  	s13 =	simm.s32 $0x3;
	[dreg:$0x6] =	wrdreg s14;
	s14 =	simm.s32 $0x4  }
0xc: {  	[dreg:$0x7] =	wrdreg s15;
	s15 =	simm.s32 $0x5;
	s7 =	smul.u32 $0x320, s6  }
0xd: {  	s30 =	sshrl.u32 s9, $0x1;
	s6 =	smul.u32 $0x64000, s6;
	s8 =	sadd.s32 s10, s8  }
0xe: {  	s10 =	simm.s32 $0x9900;
	s29 =	sadd.s32 s7, s4;
	s4 =	sadd.s32 $0xF42E00, s4  }
0xf: {  	s7 =	ssub.s32 s9, s30;
	s8 =	sshrl.u32 s8, $0x3;
	s9 =	simm.s32 $0xB  }
0x10: {  	s5 =	sadd.s32 $0xA00, s29;
	s7 =	smax.u32 s7, $0x1;
	s8 =	sadd.s32 s8, s2  }
.LBB2_1:
0x11: {  	[tilespmem:s3], [sflag:$0xB] =	stream.linear.gather [hbm4b:s5+s3], $0x1900, $0x38;
	[tilespmem:$0xB900] =	vst v63  }
0x12: {  	_ =	swait.ge [sflag:s9], $0x1900  }
0x13: {  	p0 =	por $0x0, $0x0;
	[sflag:s9] =	ssyncset.done $0x0  }
0x14: {  	s22 =	simm.s32 @p0 $0x6;
	[sflag:s9] =	ssyncadd.s32 $0xFFFFE700  }
0x15: {  	_ =	swait.ge @p0 [sflag:s22], $0x2000  }
0x16: {  	s23 =	simm.s32 @p0 $0x1900;
	s24 =	simm.s32 @p0 $0x7;
	[sflag:s22] =	ssyncset.done @p0 $0x0  }
0x17: {  	s25 =	simm.s32 @p0 $0x80;
	[sflag:s22] =	ssyncadd.s32 @p0 $0xFFFFE000;
	s22 =	simm.s32 @p0 $0x0  }
0x18: {  	[tilespmem:s23], [sflag:$0x1] =	stream.indirect.gather @p0 [hbm4b:s4+s25], $0x40, s22, s25, $0xb8;
	[tilespmem:$0xB900] =	vst v63  }
0x19: {  	_ =	swait.ge @p0 [sflag:s24], $0x2000  }
0x1a: {  	s22 =	simm.s32 @p0 $0x80;
	[sflag:s24] =	ssyncset.done @p0 $0x0  }
0x1b: {  	s23 =	simm.s32 @p0 $0x3900;
	[sflag:s24] =	ssyncadd.s32 @p0 $0xFFFFE000;
	s24 =	simm.s32 @p0 $0x8  }
0x1c: {  	[tilespmem:s23], [sflag:$0x2] =	stream.indirect.gather @p0 [hbm4b:s4+s25], $0x40, s22, s25, $0xb8;
	[tilespmem:$0xB900] =	vst v63  }
0x1d: {  	_ =	swait.ge @p0 [sflag:s24], $0x2000  }
0x1e: {  	s22 =	simm.s32 @p0 $0x100;
	[sflag:s24] =	ssyncset.done @p0 $0x0  }
0x1f: {  	s23 =	simm.s32 @p0 $0x5900;
	[sflag:s24] =	ssyncadd.s32 @p0 $0xFFFFE000;
	s24 =	simm.s32 @p0 $0x9  }
0x20: {  	[tilespmem:s23], [sflag:$0x3] =	stream.indirect.gather @p0 [hbm4b:s4+s25], $0x40, s22, s25, $0xb8;
	[tilespmem:$0xB900] =	vst v63  }
0x21: {  	_ =	swait.ge @p0 [sflag:s24], $0x2000  }
0x22: {  	s22 =	simm.s32 @p0 $0x180;
	[sflag:s24] =	ssyncset.done @p0 $0x0  }
0x23: {  	s23 =	simm.s32 @p0 $0x7900;
	[sflag:s24] =	ssyncadd.s32 @p0 $0xFFFFE000;
	s24 =	simm.s32 @p0 $0xA  }
0x24: {  	[tilespmem:s23], [sflag:$0x4] =	stream.indirect.gather @p0 [hbm4b:s4+s25], $0x40, s22, s25, $0xb8;
	[tilespmem:$0xB900] =	vst v63  }
0x25: {  	_ =	swait.ge @p0 [sflag:s24], $0x2000  }
0x26: {  	s22 =	simm.s32 @!p0 $0x1900;
	[sflag:s24] =	ssyncset.done @p0 $0x0  }
0x27: {  	s23 =	simm.s32 @!p0 $0x80;
	[sflag:s24] =	ssyncadd.s32 @p0 $0xFFFFE000;
	s24 =	simm.s32 @!p0 $0x0  }
0x28: {  	[tilespmem:s22], [sflag:$0x1] =	stream.indirect.gather @!p0 [hbm4b:s4+s23], $0x40, s24, s23, $0xb8;
	[tilespmem:$0xB900] =	vst v63  }
0x29: {  	s22 =	simm.s32 @!p0 $0x3900;
	s24 =	simm.s32 $0x4  }
0x2a: {  	[tilespmem:s22], [sflag:$0x2] =	stream.indirect.gather @!p0 [hbm4b:s4+s23], $0x40, s23, s23, $0xb8;
	[tilespmem:$0xB900] =	vst v63  }
0x2b: {  	s26 =	simm.s32 @!p0 $0x5900;
	s25 =	simm.s32 @!p0 $0x100;
	s24 =	simm.s32 @!p0 $0x4  }
0x2c: {  	[tilespmem:s26], [sflag:$0x3] =	stream.indirect.gather @!p0 [hbm4b:s4+s23], $0x40, s25, s23, $0xb8;
	[tilespmem:$0xB900] =	vst v63  }
0x2d: {  	s22 =	simm.s32 @!p0 $0x7900;
	s1 =	sshll.u32 s24, $0x7;
	s25 =	simm.s32 @!p0 $0x180  }
0x2e: {  	[tilespmem:s22], [sflag:$0x4] =	stream.indirect.gather @!p0 [hbm4b:s4+s23], $0x40, s25, s23, $0xb8;
	[tilespmem:$0xB900] =	vst v63  }
0x2f: {  	s28 =	rddreg [dreg:$0x3];
	s23 =	sand.u32 $0x3FFFFF80, s1  }
0x30: {  	[tilespmem:s10], [sflag:$0x5] =	stream.indirect.gather [hbm4b:s4+s28], $0x40, s23, s28, $0xb8;
	[tilespmem:$0xB900] =	vst v63  }
0x31: {  	s23 =	simm.s32 @p0 $0x2000  }
0x32: {  	s31 =	sshll.u32 s24, $0xD;
	_ =	swait.ge [sflag:s11], $0x2000;
	s23 =	simm.s32 @!p0 $0x2000  }
0x33: {  	s24 =	sadd.s32 $0x1400, s8;
	[sflag:s11] =	ssyncset.done $0x0;
	s26 =	sadd.s32 s6, s23  }
0x34: {  	s25 =	rddreg [dreg:$0x4];
	[sflag:s11] =	ssyncadd.s32 $0xFFFFE000;
	s22 =	sshrl.u32 s26, $0x3  }
0x35: {  	[hbm4b:s8+s3] =	stream.linear.scatter [tilespmem:s25], [sflag:$0x6], $0x2000, $0x38;
	[tilespmem:$0xB900] =	vst v63  }
0x36: {  	s26 =	simm.s32 $0x1400;
	s25 =	simm.s32 @p0 $0x4000;
	_ =	swait.ge [sflag:s12], $0x2000  }
0x37: {  	s22 =	sadd.s32 s2, s22;
	s25 =	simm.s32 @!p0 $0x4000;
	[sflag:s12] =	ssyncset.done $0x0  }
0x38: {  	s29 =	rddreg [dreg:$0x5];
	s30 =	sadd.s32 s6, s25;
	[sflag:s12] =	ssyncadd.s32 $0xFFFFE000  }
0x39: {  	[hbm4b:s22+s3] =	stream.linear.scatter [tilespmem:s29], [sflag:$0x7], $0x2000, $0x38;
	[tilespmem:$0xB900] =	vst v63  }
0x3a: {  	s25 =	simm.s32 $0xA00;
	s23 =	sshrl.u32 s30, $0x3;
	_ =	swait.ge [sflag:s13], $0x2000  }
0x3b: {  	s22 =	simm.s32 $0x6000;
	s23 =	sadd.s32 s2, s23;
	[sflag:s13] =	ssyncset.done $0x0  }
0x3c: {  	s22 =	simm.s32 @!p0 $0x6000;
	s28 =	rddreg [dreg:$0x6];
	[sflag:s13] =	ssyncadd.s32 $0xFFFFE000  }
0x3d: {  	[hbm4b:s23+s3] =	stream.linear.scatter [tilespmem:s28], [sflag:$0x8], $0x2000, $0x38;
	[tilespmem:$0xB900] =	vst v63  }
0x3e: {  	p0 =	por $0x1, $0x1;
	s22 =	sadd.s32 s6, s22;
	_ =	swait.ge [sflag:s14], $0x2000  }
0x3f: {  	s22 =	sshrl.u32 s22, $0x3;
	s23 =	sadd.s32 s6, s31;
	[sflag:s14] =	ssyncset.done $0x0  }
0x40: {  	s22 =	sadd.s32 s2, s22;
	s28 =	rddreg [dreg:$0x7];
	[sflag:s14] =	ssyncadd.s32 $0xFFFFE000  }
0x41: {  	[hbm4b:s22+s3] =	stream.linear.scatter [tilespmem:s28], [sflag:$0x9], $0x2000, $0x38;
	[tilespmem:$0xB900] =	vst v63  }
0x42: {  	s29 =	sshrl.u32 s23, $0x3;
	s23 =	simm.s32 $0x10000;
	_ =	swait.ge [sflag:s15], $0x2000  }
0x43: {  	s22 =	simm.s32 $0x9;
	s28 =	sadd.s32 s2, s29;
	[sflag:s15] =	ssyncset.done $0x0  }
.LBB2_2:
0x44: {  	s29 =	simm.s32 @p0 $0x6;
	[sflag:s15] =	ssyncadd.s32 $0xFFFFE000  }
0x45: {  	[hbm4b:s28+s3] =	stream.linear.scatter [tilespmem:s10], [sflag:$0xA], $0x2000, $0x38;
	[tilespmem:$0xB900] =	vst v63  }
0x46: {  	s30 =	smov.u32 s26;
	_ =	swait.ge @p0 [sflag:s29], $0x2000  }
0x47: {  	s31 =	simm.s32 @p0 $0x7;
	s25 =	sshra.s32 @p0 s25, $0x2;
	[sflag:s29] =	ssyncset.done @p0 $0x0  }
0x48: {  	s28 =	simm.s32 @p0 $0x1900;
	[sflag:s29] =	ssyncadd.s32 @p0 $0xFFFFE000;
	s29 =	simm.s32 @p0 $0x80  }
0x49: {  	[tilespmem:s28], [sflag:$0x1] =	stream.indirect.gather @p0 [hbm4b:s4+s29], $0x40, s25, s29, $0xb8;
	[tilespmem:$0xB900] =	vst v63  }
0x4a: {  	s1 =	sadd.s32 @p0 $0x100, s25;
	s0 =	sadd.s32 @p0 $0x180, s25;
	_ =	swait.ge @p0 [sflag:s31], $0x2000  }
0x4b: {  	s28 =	sadd.s32 @p0 $0x80, s25;
	s25 =	smov.u32 s30;
	[sflag:s31] =	ssyncset.done @p0 $0x0  }
0x4c: {  	s30 =	simm.s32 @p0 $0x3900;
	[sflag:s31] =	ssyncadd.s32 @p0 $0xFFFFE000;
	s31 =	simm.s32 @p0 $0x8  }
0x4d: {  	[tilespmem:s30], [sflag:$0x2] =	stream.indirect.gather @p0 [hbm4b:s4+s29], $0x40, s28, s29, $0xb8;
	[tilespmem:$0xB900] =	vst v63  }
0x4e: {  	_ =	swait.ge @p0 [sflag:s31], $0x2000  }
0x4f: {  	[sflag:s31] =	ssyncset.done @p0 $0x0  }
0x50: {  	s28 =	simm.s32 @p0 $0x5900;
	s30 =	simm.s32 @p0 $0x9;
	[sflag:s31] =	ssyncadd.s32 @p0 $0xFFFFE000  }
0x51: {  	[tilespmem:s28], [sflag:$0x3] =	stream.indirect.gather @p0 [hbm4b:s4+s29], $0x40, s1, s29, $0xb8;
	[tilespmem:$0xB900] =	vst v63  }
0x52: {  	_ =	swait.ge @p0 [sflag:s30], $0x2000  }
0x53: {  	[sflag:s30] =	ssyncset.done @p0 $0x0  }
0x54: {  	s1 =	simm.s32 @p0 $0x7900;
	s28 =	simm.s32 @p0 $0xA;
	[sflag:s30] =	ssyncadd.s32 @p0 $0xFFFFE000  }
0x55: {  	[tilespmem:s1], [sflag:$0x4] =	stream.indirect.gather @p0 [hbm4b:s4+s29], $0x40, s0, s29, $0xb8;
	[tilespmem:$0xB900] =	vst v63  }
0x56: {  	_ =	swait.ge @p0 [sflag:s28], $0x2000  }
0x57: {  	s0 =	simm.s32 @!p0 $0x1900;
	[sflag:s28] =	ssyncset.done @p0 $0x0  }
0x58: {  	s1 =	simm.s32 @!p0 $0x80;
	[sflag:s28] =	ssyncadd.s32 @p0 $0xFFFFE000;
	s28 =	simm.s32 @!p0 $0x0  }
0x59: {  	[tilespmem:s0], [sflag:$0x1] =	stream.indirect.gather @!p0 [hbm4b:s4+s1], $0x40, s28, s1, $0xb8;
	[tilespmem:$0xB900] =	vst v63  }
0x5a: {  	s30 =	smov.u32 s22;
	s0 =	simm.s32 @!p0 $0x3900  }
0x5b: {  	[tilespmem:s0], [sflag:$0x2] =	stream.indirect.gather @!p0 [hbm4b:s4+s1], $0x40, s1, s1, $0xb8;
	[tilespmem:$0xB900] =	vst v63  }
0x5c: {  	s29 =	simm.s32 @!p0 $0x5900;
	s30 =	simm.s32 @!p0 $0x4;
	s0 =	simm.s32 @!p0 $0x100  }
0x5d: {  	[tilespmem:s29], [sflag:$0x3] =	stream.indirect.gather @!p0 [hbm4b:s4+s1], $0x40, s0, s1, $0xb8;
	[tilespmem:$0xB900] =	vst v63  }
0x5e: {  	s28 =	simm.s32 @!p0 $0x7900;
	s0 =	simm.s32 @!p0 $0x180;
	s29 =	sshll.u32 s30, $0x7  }
0x5f: {  	[tilespmem:s28], [sflag:$0x4] =	stream.indirect.gather @!p0 [hbm4b:s4+s1], $0x40, s0, s1, $0xb8;
	[tilespmem:$0xB900] =	vst v63  }
0x60: {  	s31 =	rddreg [dreg:$0x3];
	s29 =	sand.u32 $0x3FFFFF80, s29  }
0x61: {  	[tilespmem:s10], [sflag:$0x5] =	stream.indirect.gather [hbm4b:s4+s31], $0x40, s29, s31, $0xb8;
	[tilespmem:$0xB900] =	vst v63  }
0x62: {  	s30 =	sshll.u32 s30, $0xD;
	s28 =	sadd.s32 @p0 $0xFFFFC000, s23;
	_ =	swait.ge [sflag:s11], $0x2000  }
0x63: {  	s1 =	sadd.s32 s6, s30;
	s28 =	simm.s32 @!p0 $0x2000;
	[sflag:s11] =	ssyncset.done $0x0  }
0x64: {  	s30 =	sadd.s32 s6, s28;
	s29 =	rddreg [dreg:$0x4];
	[sflag:s11] =	ssyncadd.s32 $0xFFFFE000  }
0x65: {  	[hbm4b:s24+s3] =	stream.linear.scatter [tilespmem:s29], [sflag:$0x6], $0x2000, $0x38;
	[tilespmem:$0xB900] =	vst v63  }
0x66: {  	s0 =	sshrl.u32 s1, $0x3;
	s1 =	sshrl.u32 s30, $0x3;
	_ =	swait.ge [sflag:s12], $0x2000  }
0x67: {  	s1 =	sadd.s32 s2, s1;
	s29 =	sadd.s32 @p0 $0xFFFFE000, s23;
	[sflag:s12] =	ssyncset.done $0x0  }
0x68: {  	s29 =	simm.s32 @!p0 $0x4000;
	s28 =	rddreg [dreg:$0x5];
	[sflag:s12] =	ssyncadd.s32 $0xFFFFE000  }
0x69: {  	[hbm4b:s1+s3] =	stream.linear.scatter [tilespmem:s28], [sflag:$0x7], $0x2000, $0x38;
	[tilespmem:$0xB900] =	vst v63  }
0x6a: {  	s31 =	sadd.s32 s6, s29;
	_ =	swait.ge [sflag:s13], $0x2000  }
0x6b: {  	s1 =	sshrl.u32 s31, $0x3;
	[sflag:s13] =	ssyncset.done $0x0  }
0x6c: {  	s1 =	sadd.s32 s2, s1;
	s28 =	rddreg [dreg:$0x6];
	[sflag:s13] =	ssyncadd.s32 $0xFFFFE000  }
0x6d: {  	[hbm4b:s1+s3] =	stream.linear.scatter [tilespmem:s28], [sflag:$0x8], $0x2000, $0x38;
	[tilespmem:$0xB900] =	vst v63  }
0x6e: {  	s26 =	sadd.s32 $0xA00, s26;
	s1 =	smov.u32 s23  }
0x6f: {  	p1 =	sne.s32 s26, $0x6400;
	s1 =	simm.s32 @!p0 $0x6000  }
0x70: {  	s22 =	sadd.s32 $0x5, s22;
	_ =	swait.ge [sflag:s14], $0x2000;
	s1 =	sadd.s32 s6, s1  }
.Ltmp0:
0x71: {  	[sflag:s14] =	ssyncset.done $0x0;
	s1 =	sshrl.u32 s1, $0x3;
	(pc) =	sbr.rel @p1 .LBB2_2-.Ltmp0, $4  }
0x72: {  	s28 =	rddreg [dreg:$0x7];
	[sflag:s14] =	ssyncadd.s32 $0xFFFFE000;
	s1 =	sadd.s32 s2, s1  }
0x73: {  	[hbm4b:s1+s3] =	stream.linear.scatter [tilespmem:s28], [sflag:$0x9], $0x2000, $0x38;
	[tilespmem:$0xB900] =	vst v63  }
0x74: {  	s24 =	sadd.s32 $0x1400, s24;
	s23 =	sadd.s32 $0xA000, s23;
	_ =	swait.ge [sflag:s15], $0x2000  }
0x75: {  	p0 =	sne.s32 s25, $0x0;
	s28 =	sadd.s32 s2, s0;
	[sflag:s15] =	ssyncset.done $0x0  }
0x76: {  	s0 =	simm.s32 @p0 $0x6;
	[sflag:s15] =	ssyncadd.s32 $0xFFFFE000  }
0x77: {  	[hbm4b:s28+s3] =	stream.linear.scatter [tilespmem:s10], [sflag:$0xA], $0x2000, $0x38;
	[tilespmem:$0xB900] =	vst v63  }
0x78: {  	_ =	swait.ge @p0 [sflag:s0], $0x2000  }
0x79: {  	s1 =	simm.s32 @p0 $0x1900;
	s26 =	simm.s32 @p0 $0x7;
	[sflag:s0] =	ssyncset.done @p0 $0x0  }
0x7a: {  	[sflag:s0] =	ssyncadd.s32 @p0 $0xFFFFE000;
	s0 =	sshra.s32 @p0 s25, $0x2;
	s25 =	simm.s32 @p0 $0x80  }
0x7b: {  	[tilespmem:s1], [sflag:$0x1] =	stream.indirect.gather @p0 [hbm4b:s4+s25], $0x40, s0, s25, $0xb8;
	[tilespmem:$0xB900] =	vst v63  }
0x7c: {  	_ =	swait.ge @p0 [sflag:s26], $0x2000  }
0x7d: {  	s28 =	simm.s32 @p0 $0x8;
	[sflag:s26] =	ssyncset.done @p0 $0x0  }
0x7e: {  	s1 =	sadd.s32 @p0 $0x80, s0;
	[sflag:s26] =	ssyncadd.s32 @p0 $0xFFFFE000;
	s26 =	simm.s32 @p0 $0x3900  }
0x7f: {  	[tilespmem:s26], [sflag:$0x2] =	stream.indirect.gather @p0 [hbm4b:s4+s25], $0x40, s1, s25, $0xb8;
	[tilespmem:$0xB900] =	vst v63  }
0x80: {  	_ =	swait.ge @p0 [sflag:s28], $0x2000  }
0x81: {  	s1 =	sadd.s32 @p0 $0x100, s0;
	[sflag:s28] =	ssyncset.done @p0 $0x0  }
0x82: {  	s26 =	simm.s32 @p0 $0x5900;
	[sflag:s28] =	ssyncadd.s32 @p0 $0xFFFFE000;
	s28 =	simm.s32 @p0 $0x9  }
0x83: {  	[tilespmem:s26], [sflag:$0x3] =	stream.indirect.gather @p0 [hbm4b:s4+s25], $0x40, s1, s25, $0xb8;
	[tilespmem:$0xB900] =	vst v63  }
0x84: {  	_ =	swait.ge @p0 [sflag:s28], $0x2000  }
0x85: {  	s0 =	sadd.s32 @p0 $0x180, s0;
	[sflag:s28] =	ssyncset.done @p0 $0x0  }
0x86: {  	s1 =	simm.s32 @p0 $0x7900;
	s26 =	simm.s32 @p0 $0xA;
	[sflag:s28] =	ssyncadd.s32 @p0 $0xFFFFE000  }
0x87: {  	[tilespmem:s1], [sflag:$0x4] =	stream.indirect.gather @p0 [hbm4b:s4+s25], $0x40, s0, s25, $0xb8;
	[tilespmem:$0xB900] =	vst v63  }
0x88: {  	_ =	swait.ge @p0 [sflag:s26], $0x2000  }
0x89: {  	s0 =	simm.s32 @!p0 $0x1900;
	[sflag:s26] =	ssyncset.done @p0 $0x0  }
0x8a: {  	s1 =	simm.s32 @!p0 $0x80;
	s25 =	simm.s32 @!p0 $0x0;
	[sflag:s26] =	ssyncadd.s32 @p0 $0xFFFFE000  }
0x8b: {  	[tilespmem:s0], [sflag:$0x1] =	stream.indirect.gather @!p0 [hbm4b:s4+s1], $0x40, s25, s1, $0xb8;
	[tilespmem:$0xB900] =	vst v63  }
0x8c: {  	s0 =	simm.s32 @!p0 $0x3900  }
0x8d: {  	[tilespmem:s0], [sflag:$0x2] =	stream.indirect.gather @!p0 [hbm4b:s4+s1], $0x40, s1, s1, $0xb8;
	[tilespmem:$0xB900] =	vst v63  }
0x8e: {  	s22 =	simm.s32 @!p0 $0x4;
	s26 =	simm.s32 @!p0 $0x5900;
	s0 =	simm.s32 @!p0 $0x100  }
0x8f: {  	[tilespmem:s26], [sflag:$0x3] =	stream.indirect.gather @!p0 [hbm4b:s4+s1], $0x40, s0, s1, $0xb8;
	[tilespmem:$0xB900] =	vst v63  }
0x90: {  	s31 =	sshll.u32 s22, $0x7;
	s25 =	simm.s32 @!p0 $0x7900;
	s0 =	simm.s32 @!p0 $0x180  }
0x91: {  	[tilespmem:s25], [sflag:$0x4] =	stream.indirect.gather @!p0 [hbm4b:s4+s1], $0x40, s0, s1, $0xb8;
	[tilespmem:$0xB900] =	vst v63  }
0x92: {  	s30 =	sand.u32 $0x3FFFFF80, s31;
	s29 =	rddreg [dreg:$0x3]  }
0x93: {  	[tilespmem:s10], [sflag:$0x5] =	stream.indirect.gather [hbm4b:s4+s29], $0x40, s30, s29, $0xb8;
	[tilespmem:$0xB900] =	vst v63  }
0x94: {  	_ =	swait.ge [sflag:s11], $0x2000  }
0x95: {  	s1 =	sadd.s32 @p0 $0xFFFFC000, s23;
	[sflag:s11] =	ssyncset.done $0x0  }
0x96: {  	s1 =	simm.s32 @!p0 $0x2000;
	s31 =	rddreg [dreg:$0x4];
	[sflag:s11] =	ssyncadd.s32 $0xFFFFE000  }
0x97: {  	[hbm4b:s24+s3] =	stream.linear.scatter [tilespmem:s31], [sflag:$0x6], $0x2000, $0x38;
	[tilespmem:$0xB900] =	vst v63  }
0x98: {  	s24 =	sadd.s32 s6, s1  }
0x99: {  	_ =	swait.ge [sflag:s12], $0x2000;
	s0 =	sshrl.u32 s24, $0x3  }
0x9a: {  	s24 =	sadd.s32 @p0 $0xFFFFE000, s23;
	s25 =	rddreg [dreg:$0x5];
	[sflag:s12] =	ssyncset.done $0x0  }
0x9b: {  	s0 =	sadd.s32 s2, s0;
	s24 =	simm.s32 @!p0 $0x4000;
	[sflag:s12] =	ssyncadd.s32 $0xFFFFE000  }
0x9c: {  	[hbm4b:s0+s3] =	stream.linear.scatter [tilespmem:s25], [sflag:$0x7], $0x2000, $0x38;
	[tilespmem:$0xB900] =	vst v63  }
0x9d: {  	s26 =	sadd.s32 s6, s24;
	_ =	swait.ge [sflag:s13], $0x2000  }
0x9e: {  	s23 =	simm.s32 @!p0 $0x6000;
	s0 =	sshrl.u32 s26, $0x3;
	[sflag:s13] =	ssyncset.done $0x0  }
0x9f: {  	s0 =	sadd.s32 s2, s0;
	s28 =	rddreg [dreg:$0x6];
	[sflag:s13] =	ssyncadd.s32 $0xFFFFE000  }
0xa0: {  	[hbm4b:s0+s3] =	stream.linear.scatter [tilespmem:s28], [sflag:$0x8], $0x2000, $0x38;
	[tilespmem:$0xB900] =	vst v63  }
0xa1: {  	s29 =	sadd.s32 s6, s23;
	_ =	swait.ge [sflag:s14], $0x2000  }
0xa2: {  	s22 =	sshll.u32 s22, $0xD;
	s0 =	sshrl.u32 s29, $0x3;
	[sflag:s14] =	ssyncset.done $0x0  }
0xa3: {  	s0 =	sadd.s32 s2, s0;
	s30 =	rddreg [dreg:$0x7];
	[sflag:s14] =	ssyncadd.s32 $0xFFFFE000  }
0xa4: {  	[hbm4b:s0+s3] =	stream.linear.scatter [tilespmem:s30], [sflag:$0x9], $0x2000, $0x38;
	[tilespmem:$0xB900] =	vst v63  }
0xa5: {  	s31 =	sadd.s32 s6, s22;
	_ =	swait.ge [sflag:s15], $0x2000  }
0xa6: {  	s0 =	sshrl.u32 s31, $0x3;
	[sflag:s15] =	ssyncset.done $0x0  }
0xa7: {  	s0 =	sadd.s32 s2, s0;
	[sflag:s15] =	ssyncadd.s32 $0xFFFFE000  }
0xa8: {  	[hbm4b:s0+s3] =	stream.linear.scatter [tilespmem:s10], [sflag:$0xA], $0x2000, $0x38;
	[tilespmem:$0xB900] =	vst v63  }
0xa9: {  	_ =	swait.ge [sflag:s16], $0x2000  }
0xaa: {  	[sflag:s16] =	ssyncset.done $0x0  }
0xab: {  	[sflag:s16] =	ssyncadd.s32 $0xFFFFE000  }
0xac: {  	_ =	swait.ge [sflag:s17], $0x2000  }
0xad: {  	[sflag:s17] =	ssyncset.done $0x0  }
0xae: {  	[sflag:s17] =	ssyncadd.s32 $0xFFFFE000  }
0xaf: {  	_ =	swait.ge [sflag:s18], $0x2000  }
0xb0: {  	[sflag:s18] =	ssyncset.done $0x0  }
0xb1: {  	s21 =	sadd.s32 $0x1, s21;
	[sflag:s18] =	ssyncadd.s32 $0xFFFFE000  }
0xb2: {  	p0 =	sne.s32 s21, s7;
	_ =	swait.ge [sflag:s19], $0x2000  }
.Ltmp1:
0xb3: {  	[sflag:s19] =	ssyncset.done $0x0;
	(pc) =	sbr.rel @p0 .LBB2_1-.Ltmp1, $4  }
0xb4: {  	[sflag:s19] =	ssyncadd.s32 $0xFFFFE000  }
0xb5: {  	_ =	swait.ge [sflag:s20], $0x2000  }
0xb6: {  	[sflag:s20] =	ssyncset.done $0x0  }
0xb7: {  	[sflag:s20] =	ssyncadd.s32 $0xFFFFE000  }
0xb8: {  	_ =	sfence.sel $0x180000  }
0xb9: {  	[bflag:$0x0] =	sbarrier.arrive $0xFFFF  }
0xba: {  	_ =	strace $0x90000047  }
0xbb: {  	s0 =	stileid.u32;
	[bflag:$0x2] =	sbarrier.arrive $0xFFFF  }
0xbc: {  	p0 =	sne.s32 s0, $0x0;
	s0 =	rddreg [dreg:$0x2]  }
0xbd: {  	s0 =	sadd.s32 @!p0 $0x100000, s0  }
0xbe: {  	[sflag:s0] =	ssyncadd.tile.s32 @!p0 $0x1;
	_ =	shalt  }
.Lfunc_end2:
_tile_overlayer_lowered:
.L_overlay_start_2:
0xbf: {  	(tag) =	ssettag $0x2  }
0xc0: {  	s0 =	rddreg [dreg:$0x0];
	s2 =	stileid.u32  }
0xc1: {  	s1 =	rddreg [dreg:$0x1];
	p0 =	sne.s32 s2, $0x0  }
0xc2: {  	s3 =	rddreg [dreg:$0x2];
	[bflag:$0x3] =	sbarrier.arrive $0xFFFF;
	s2 =	simm.s32 @!p0 $0x1C0B  }
0xc3: {  	[timem:s3], [sflag:s2] =	dma.local @!p0 [hbm:s0], s1  }
0xc4: {  	s0 =	simm.s32 @!p0 $0xB  }
0xc5: {  	_ =	swait.ge @!p0 [sflag:s0], s1  }
0xc6: {  	s1 =	ssub.s32 @!p0 $0x0, s1;
	[sflag:s0] =	ssyncset.done @!p0 $0x0  }
0xc7: {  	[sflag:s0] =	ssyncadd.s32 @!p0 s1  }
0xc8: {  	[bflag:$0x3] =	sbarrier.arrive $0xFFFF  }
0xc9: {  	_ =	shalt  }

// kernel: sparse-core-data-format-call.cloned.1.call-start
scs
called_computation_lowered:
.L_overlay_start_0:
0x0: {  	s2 =	sld [smem:$0x3FD9]  }
0x1: {  	s3 =	sld [smem:$0x3FFE];
	_ =	sdelay $0x1  }
0x2: {  	s1 =	srdreg.scid  }
0x3: {  	s0 =	sand.u32 $0x1, s1  }
0x4: {  	s18 =	sshll.u32 s0, $0xA;
	s2 =	sadd.s32 s3, s2  }
0x5: {  	s2 =	sadd.s32 s2, s18  }
0x6: {  	[smem:$0x3FC6] =	sst s2  }
0x7: {  	_ = 	snop  }
0x8: {  	s2 =	sld [smem:$0x3FD0];
	(tm) =	ssettm $0x1  }
0x9: {  	s19 =	sld [smem:$0x3FFB];
	_ =	sdelay $0x3  }
0xa: {  	_ =	strace s19  }
0xb: {  	s3 =	sld [smem:$0x3FFC];
	_ =	sdelay $0x3  }
0xc: {  	_ =	strace s3  }
0xd: {  	s3 =	sld [smem:$0x3FFD];
	_ =	sdelay $0x3  }
0xe: {  	_ =	strace s3  }
0xf: {  	_ =	strace $0x8FFFFFFF  }
0x10: {  	s20 =	sld [smem:$0x3FDB];
	_ =	sdelay $0x1  }
0x11: {  	s4 =	simm.s32 $_scs_section_size  }
0x12: {  	s5 =	simm.s32 $_size__tile_overlayer_lowered;
	s6 =	simm.s32 $_tile_overlayer_lowered  }
0x13: {  	s23 =	simm.s32 $0x1BFF;
	s22 =	sshll.u32 s6, $0x1;
	s3 =	sadd.s32 s4, s20  }
0x14: {  	s7 =	simm.s32 $0x0;
	s21 =	sshll.u32 s5, $0x1;
	s5 =	sadd.s32 s22, s3  }
0x15: {  	[timem:s7], [sflag:s23] =	dma.local [hbm:s5], s21  }
0x16: {  	_ =	swait.ge [sflag:s23], s21  }
0x17: {  	s4 =	ssub.s32 $0x0, s21;
	[sflag:s23] =	ssyncset.done $0x0  }
0x18: {  	[sflag:s23] =	ssyncadd.s32 s4;
	_ =	sdelay $0x1  }
0x19: {  	s24 =	simm.s32 $0x1B8B  }
0x1a: {  	_ =	swait.ge [sflag:s24], $0x1  }
0x1b: {  	[sflag:s24] =	ssyncset.done $0x0  }
0x1c: {  	s26 =	simm.s32 $0x1B8E;
	s25 =	sld [smem:$0x3FFE];
	[sflag:s24] =	ssyncadd.s32 $0xFFFFFFFF  }
0x1d: {  	s27 =	simm.s32 $execute0_lowered;
	[smem:$0x3FD2] =	sst s26  }
0x1e: {  	s5 =	sshll.u32 s27, $0x1;
	_ =	strace $0x80000049;
	[dreg:$0x1] =	wrdreg $0xFFFFFFFF  }
0x1f: {  	s28 =	simm.s32 $_size_execute0_lowered;
	s3 =	sadd.s32 s3, s5;
	[dreg:$0x0] =	wrdreg $0x0  }
0x20: {  	s5 =	sshll.u32 s28, $0x1;
	[dreg:$0x2] =	wrdreg s3  }
0x21: {  	[dreg:$0x3] =	wrdreg s5  }
0x22: {  	[dreg:$0x4] =	wrdreg $0xC0  }
0x23: {  	_ =	task [dreg:s7], $0x5FFFF  }
0x24: {  	[dreg:$0x1] =	wrdreg $0xFFFFFFFF  }
0x25: {  	[dreg:$0x0] =	wrdreg $0x60  }
0x26: {  	[dreg:$0x2] =	wrdreg s25  }
0x27: {  	[dreg:$0x3] =	wrdreg s2  }
0x28: {  	[dreg:$0x4] =	wrdreg $0x9  }
0x29: {  	_ =	task.clear_ibuf [dreg:s7], $0x5FFFF;
	_ =	strace $0x90000049  }
0x2a: {  	s29 =	simm.s32 $0x9;
	_ =	strace $0x8000004B  }
0x2b: {  	_ =	swait.ge [sflag:s29], $0x1  }
0x2c: {  	[sflag:s29] =	ssyncadd.s32 $0xFFFFFFFF  }
0x2d: {  	_ =	strace $0x9000004B  }
0x2e: {  	_ =	sfence  }
0x2f: {  	s30 =	sld [smem:$0x0];
	_ =	sdelay $0x2  }
0x30: {  	s31 =	sshll.u32 s1, $0xD;
	s1 =	sshrl.u32 s1, $0x2  }
0x31: {  	s3 =	sand.u32 $0x4000, s31;
	s1 =	sadd.s32 s1, s30  }
0x32: {  	s0 =	sor.u32 s3, s0;
	s1 =	sshll.u32 s1, $0x11  }
0x33: {  	s0 =	sor.u32 s1, s0  }
0x34: {  	s0 =	sadd.s32 $0x8F2B, s0  }
0x35: {  	[sflag:s0] =	ssyncadd.remote.s32 $0x1  }
0x36: {  	_ =	sfence.sel $0xFFFF  }
0x37: {  	[dreg:$0x0] =	wrdreg $0xFFFFFFFF;
	(pc) =	sbr.abs _section_cstart, $3  }
0x38: {  	[dreg:$0x1] =	wrdreg $0xFFFFFFFF  }
0x39: {  	_ =	task.clear_ibuf [dreg:s7], $0x2FFFF;
	_ =	strace $0x9FFFFFFF  }
0x3a: {  	(tm) =	ssettm $0x7FFFFFFF  }
0x3b: {  	_ =	shalt  }
tec
execute0_lowered:
.L_overlay_start_1:
0x0: {  	(tag) =	ssettag $0x1  }
0x1: {  	s0 =	stileid.u32;
	s6 =	rddreg [dreg:$0x0]  }
0x2: {  	s2 =	rddreg [dreg:$0x1];
	s5 =	srdreg.scid  }
0x3: {  	s31 =	simm.s32 $0x2;
	s13 =	simm.s32 $0x0;
	s1 =	sshll.u32 s0, $0x7  }
0x4: {  	s14 =	simm.s32 $0x0;
	s12 =	simm.s32 $0x0;
	s3 =	sand.u32 $0x380, s1  }
0x5: {  	s5 =	sshll.u32 s5, $0x4;
	s6 =	sadd.s32 $0xA00, s6;
	s4 =	ssub.s32 $0x400, s3  }
0x6: {  	s1 =	rddreg [dreg:$0x2];
	_ =	strace $0x8000004A;
	s7 =	sand.u32 $0x380, s4  }
0x7: {  	s5 =	sand.u32 $0x10, s5;
	p0 =	sne.s32 s7, $0x0;
	s7 =	simm.s32 $0x1  }
.Ltmp0:
0x8: {  	s8 =	sshrl.u32 s4, $0xA;
	s7 =	simm.s32 @!p0 $0x0;
	(pc) =	sbr.rel .LBB1_1-.Ltmp0, $4  }
0x9: {  	s9 =	sor.u32 s0, s5;
	s4 =	simm.s32 $0x1;
	s30 =	sadd.s32 s7, s8  }
0xa: {  	s11 =	smov.u32 s3;
	[sflag:s4] =	ssyncpa.u1 $0x0;
	s5 =	smul.u32 $0x32, s30  }
0xb: {  	[sflag:s31] =	ssyncpa.u1 $0x0;
	p0 =	por $0x0, $0x0;
	s7 =	sshrl.u32 s9, $0x3  }
0xc: {  	s9 =	simm.s32 $0x2000;
	s10 =	smov.u32 s7;
	s8 =	sor.u32 $0x1, s5  }
.LBB1_4:
0xd: {  	s17 =	sand.u32 $0x1F80, s14;
	s13 =	sshll.u32 s13, $0xD  }
0xe: {  	[tilespmem:s16+$0x810 ss:$0x81] =	vst.msk $0xffff, v2;
	s18 =	sshrl.u32 s14, $0x3;
	s31 =	sand.u32 $0x7, s14;
	s17 =	sadd.s32 s2, s17  }
0xf: {  	[tilespmem:s16+$0x1020 ss:$0x81] =	vst.msk $0xffff, v0;
	s18 =	sand.u32 $0xF, s18;
	s14 =	sshll.u32 s31, $0x12;
	s13 =	sadd.s32 s13, s17  }
0x10: {  	[tilespmem:s16+$0x0 ss:$0x81] =	vst.msk $0xffff, v1;
	s14 =	sor.u32 $0x400, s14;
	s13 =	sadd.s32 s18, s13  }
0x11: {  	[hbm4b:s13+s14] =	stream.strided.scatter [tilespmem:s15], [sflag:$0x2], $0x2000, s9, s14, $0x20;
	[tilespmem:$0x8080] =	vst v63  }
.LBB1_5:
0x12: {  	s15 =	sadd.s32 $0x4, s10  }
0x13: {  	s13 =	sadd.s32 $0x400, s11;
	s17 =	smov.u32 s11;
	p2 =	sgt.s32 s15, $0xC7  }
0x14: {  	s17 =	smov.u32 @p2 s13  }
0x15: {  	s15 =	smov.u32 @p2 s7;
	p2 =	sgt.s32 s17, $0x3FF  }
0x16: {  	s17 =	smov.u32 @p2 s3;
	p2 =	sne.s32 s12, s8  }
.Ltmp1:
0x17: {  	p1 =	slt.u32 s12, $0x2;
	(pc) =	sbr.rel @!p2 .LBB1_6-.Ltmp1, $4  }
0x18: {  	s16 =	simm.s32 @!p1 $0x2  }
0x19: {  	s14 =	smov.u32 s11;
	p0 =	por !p0, !p0;
	_ =	swait.ge @!p1 [sflag:s16], $0x2000  }
0x1a: {  	s13 =	smov.u32 s10;
	[sflag:s16] =	ssyncset.done @!p1 $0x0;
	s10 =	smov.u32 s15  }
0x1b: {  	s12 =	sadd.s32 $0x1, s12;
	[sflag:s16] =	ssyncadd.s32 @!p1 $0xFFFFE000;
	s11 =	smov.u32 s17  }
.LBB1_1:
0x1c: {  	p1 =	sge.u32 s12, s5  }
0x1d: {  	s15 =	sand.u32 @!p1 $0x1FFFFFF, s10  }
0x1e: {  	s16 =	smulhi.u32 @!p1 $0x147AE15, s15;
	_ =	sdelay $0x1  }
0x1f: {  	s16 =	smul.u32 @!p1 $0xC8, s16  }
0x20: {  	s17 =	sxor.u32 @!p1 $0xFFFFFFFF, s12;
	s18 =	smul.u32 @!p1 $0xC80, s11  }
0x21: {  	s31 =	sadd.s32 $0xFFFFFFFF, s12;
	s17 =	sshll.u32 @!p1 s17, $0xD;
	s15 =	ssub.s32 @!p1 s15, s16  }
0x22: {  	s16 =	sand.u32 @!p1 $0x2000, s17;
	s17 =	sadd.s32 @!p1 s6, s18;
	s15 =	sshll.u32 @!p1 s15, $0x4  }
0x23: {  	s18 =	simm.s32 @!p1 $0x6400;
	s15 =	sadd.s32 @!p1 s15, s17;
	s17 =	simm.s32 @!p1 $0x40  }
0x24: {  	[tilespmem:s16], [sflag:$0x1] =	stream.strided.gather @!p1 [hbm4b:s15+s17], $0x2000, s18, s17, $0x38;
	[tilespmem:$0x8080] =	vst v63  }
0x25: {  	p1 =	sge.u32 s31, s5  }
.Ltmp2:
0x26: {  	_ = 	snop;
	(pc) =	sbr.rel @p1 .LBB1_5-.Ltmp2, $1  }
0x27: {  	_ =	sdelay $0x3  }
0x28: {  	s15 =	simm.s32 $0x1  }
0x29: {  	_ =	swait.ge [sflag:s4], $0x2000;
	s15 =	simm.s32 @!p0 $0x0  }
0x2a: {  	[sflag:s4] =	ssyncset.done $0x0;
	s16 =	sshll.u32 s15, $0xD  }
0x2b: {  	[sflag:s4] =	ssyncadd.s32 $0xFFFFE000;
	s19 =	sor.u32 $0x20, s16  }
0x2c: {  	s15 =	smul.u32 $0x8100, s15;
	v3 =	vld [tilespmem:s19+$0x10]  }
0x2d: {  	s30 =	sand.u32 $0x1, s12;
	v2 =	vld [tilespmem:s19+$0xFFFFFFF0]  }
0x2e: {  	s16 =	smul.u32 $0x8100, s30;
	s15 =	sshrl.u32 s15, $0x2;
	v0 =	vld [tilespmem:s19+$0x0]  }
0x2f: {  	v1 =	vld [tilespmem:s19+$0xFFFFFFE0];
	s17 =	sor.u32 $0x4000, s15  }
0x30: {  	s31 =	sshrl.u32 s16, $0x2;
	s16 =	sadd.s32 $0x0, s17  }
0x31: {  	s18 =	simm.s32 $0x4;
	s19 =	sadd.s32 $0x40, s19;
	s15 =	sor.u32 $0x4000, s31;
	[tilespmem:s16+$0x1830 ss:$0x81] =	vst.msk $0xffff, v3  }
.LBB1_3:
0x32: {  	v3 =	vld [tilespmem:s19+$0x10];
	p1 =	sne.s32 s18, $0x1FC;
	[tilespmem:s16+$0x810 ss:$0x81] =	vst.msk $0xffff, v2;
	s20 =	smov.u32 s18;
	s18 =	sadd.s32 $0x4, s18  }
.Ltmp3:
0x33: {  	v2 =	vld [tilespmem:s19+$0xFFFFFFF0];
	[tilespmem:s16+$0x1020 ss:$0x81] =	vst.msk $0xffff, v0;
	(pc) =	sbr.rel @p1 .LBB1_3-.Ltmp3, $4  }
0x34: {  	v0 =	vld [tilespmem:s19+$0x0];
	[tilespmem:s16+$0x0 ss:$0x81] =	vst.msk $0xffff, v1  }
0x35: {  	s16 =	sshra.s32 s20, $0x2;
	v1 =	vld [tilespmem:s19+$0xFFFFFFE0]  }
0x36: {  	s16 =	sadd.s32 s16, s17  }
0x37: {  	s19 =	sadd.s32 $0x40, s19;
	[tilespmem:s16+$0x1830 ss:$0x81] =	vst.msk $0xffff, v3  }
.Ltmp4:
0x38: {  	_ = 	snop;
	(pc) =	sbr.rel .LBB1_4-.Ltmp4, $1  }
0x39: {  	_ =	sdelay $0x3  }
.LBB1_6:
0x3a: {  	_ =	sfence.sel $0x180000  }
0x3b: {  	s2 =	simm.s32 $0x1;
	[bflag:$0x0] =	sbarrier.arrive $0xFFFF  }
0x3c: {  	s31 =	simm.s32 $0x2;
	[sflag:s2] =	ssyncpa.u1 $0x1  }
0x3d: {  	[sflag:s31] =	ssyncpa.u1 $0x1  }
0x3e: {  	p0 =	sne.s32 s0, $0x0;
	_ =	strace $0x9000004A  }
0x3f: {  	s0 =	sadd.s32 @!p0 $0x100000, s1;
	[bflag:$0x2] =	sbarrier.arrive $0xFFFF  }
0x40: {  	[sflag:s0] =	ssyncadd.tile.s32 @!p0 $0x1;
	_ =	shalt  }
.Lfunc_end1:
_tile_overlayer_lowered:
.L_overlay_start_2:
0x41: {  	(tag) =	ssettag $0x2  }
0x42: {  	s0 =	rddreg [dreg:$0x0];
	s2 =	stileid.u32  }
0x43: {  	s1 =	rddreg [dreg:$0x1];
	p0 =	sne.s32 s2, $0x0  }
0x44: {  	s3 =	rddreg [dreg:$0x2];
	[bflag:$0x3] =	sbarrier.arrive $0xFFFF;
	s2 =	simm.s32 @!p0 $0x1C01  }
0x45: {  	[timem:s3], [sflag:s2] =	dma.local @!p0 [hbm:s0], s1  }
0x46: {  	s0 =	simm.s32 @!p0 $0x1  }
0x47: {  	_ =	swait.ge @!p0 [sflag:s0], s1  }
0x48: {  	s1 =	ssub.s32 @!p0 $0x0, s1;
	[sflag:s0] =	ssyncset.done @!p0 $0x0  }
0x49: {  	[sflag:s0] =	ssyncadd.s32 @!p0 s1  }
0x4a: {  	[bflag:$0x3] =	sbarrier.arrive $0xFFFF  }
0x4b: {  	_ =	shalt  }

</sc_bundles>
